<compile_context>
chip_gen: v7x
topology: tpu7x:2x2x1
jax: 0.10.2.dev20260603
libtpu: 0.0.44.dev20260713+nightly
codegen_flags: <defaults>
</compile_context>

<pallas_src>
import functools

import jax
import jax.numpy as jnp
from jax import lax
from jax.experimental import pallas as pl
from jax.experimental.pallas import tpu as pltpu
from jax.experimental.pallas import tpu_sc as plsc

N = 10000
E = 320000
D = 128
DE = 16
G = 128

_NC = 2
_NS = 16
_NW = _NC * _NS
_EPW = E // _NW
_CH = 80
_NSTEP = _EPW // _CH
_NP = 10240
_ROWS_PT = _NP // _NS


def _gather_body(x_hbm, src_hbm, dst_hbm, a_out, b_out,
                 idx_d, idx_s, buf_a, buf_b, sem_a0, sem_b0, sem_a1, sem_b1):
    c = lax.axis_index("c")
    s = lax.axis_index("s")
    base = (s * _NC + c) * _EPW

    pltpu.sync_copy(dst_hbm.at[pl.ds(base, _EPW)], idx_d)
    pltpu.sync_copy(src_hbm.at[pl.ds(base, _EPW)], idx_s)

    def fire(i, sl, sa, sb):
        pltpu.async_copy(x_hbm.at[idx_d.at[pl.ds(i * _CH, _CH)]],
                         buf_a.at[pl.ds(sl * _CH, _CH)], sa)
        pltpu.async_copy(x_hbm.at[idx_s.at[pl.ds(i * _CH, _CH)]],
                         buf_b.at[pl.ds(sl * _CH, _CH)], sb)

    def drain(i, sl, sa, sb):
        off = base + i * _CH
        pltpu.make_async_copy(x_hbm.at[idx_d.at[pl.ds(i * _CH, _CH)]],
                              buf_a.at[pl.ds(sl * _CH, _CH)], sa).wait()
        pltpu.make_async_copy(x_hbm.at[idx_s.at[pl.ds(i * _CH, _CH)]],
                              buf_b.at[pl.ds(sl * _CH, _CH)], sb).wait()
        pltpu.sync_copy(buf_a.at[pl.ds(sl * _CH, _CH)],
                        a_out.at[pl.ds(off, _CH)])
        pltpu.sync_copy(buf_b.at[pl.ds(sl * _CH, _CH)],
                        b_out.at[pl.ds(off, _CH)])

    fire(0, 0, sem_a0, sem_b0)

    def body(i, carry):
        @pl.when(i % 2 == 1)
        def _():
            fire(i, 1, sem_a1, sem_b1)
            drain(i - 1, 0, sem_a0, sem_b0)

        @pl.when(i % 2 == 0)
        def _():
            fire(i, 0, sem_a0, sem_b0)
            drain(i - 1, 1, sem_a1, sem_b1)

        return carry

    lax.fori_loop(1, _NSTEP, body, 0)
    drain(_NSTEP - 1, (_NSTEP - 1) % 2, sem_a0, sem_b0)


_gather = functools.partial(
    pl.kernel,
    out_type=[jax.ShapeDtypeStruct((E, D), jnp.float32),
              jax.ShapeDtypeStruct((E, D), jnp.float32)],
    mesh=plsc.VectorSubcoreMesh(core_axis_name="c", subcore_axis_name="s"),
    scratch_types=[
        pltpu.VMEM((_EPW,), jnp.int32),
        pltpu.VMEM((_EPW,), jnp.int32),
        pltpu.VMEM((2 * _CH, D), jnp.float32),
        pltpu.VMEM((2 * _CH, D), jnp.float32),
        pltpu.SemaphoreType.DMA,
        pltpu.SemaphoreType.DMA,
        pltpu.SemaphoreType.DMA,
        pltpu.SemaphoreType.DMA,
    ],
)(_gather_body)


_BE = 2560


def _mlp_body(a_ref, b_ref, e_ref, w1_ref, w2_ref, we_ref, bc_ref, m_ref):
    f32 = jnp.float32
    bf16 = jnp.bfloat16
    dot = lambda u, v: lax.dot_general(u, v, (((1,), (0,)), ((), ())),
                                       preferred_element_type=f32)

    dotb = lambda u, v: dot(u.astype(bf16), v.astype(bf16))
    logits = (dotb(a_ref[...], w1_ref[...]) + dotb(b_ref[...], w2_ref[...])
              + dotb(e_ref[...], we_ref[...]) + bc_ref[...])
    gate = jax.nn.sigmoid(logits[:, :D])
    core = jax.nn.softplus(logits[:, D:])
    m_ref[...] = gate * core


def _edge_mlp(a_rows, b_rows, edge_attr, w1, w2, we, bc):
    grid = (E // _BE,)
    return pl.pallas_call(
        _mlp_body,
        grid=grid,
        in_specs=[
            pl.BlockSpec((_BE, D), lambda i: (i, 0)),
            pl.BlockSpec((_BE, D), lambda i: (i, 0)),
            pl.BlockSpec((_BE, DE), lambda i: (i, 0)),
            pl.BlockSpec((D, 2 * D), lambda i: (0, 0)),
            pl.BlockSpec((D, 2 * D), lambda i: (0, 0)),
            pl.BlockSpec((DE, 2 * D), lambda i: (0, 0)),
            pl.BlockSpec((1, 2 * D), lambda i: (0, 0)),
        ],
        out_specs=pl.BlockSpec((_BE, D), lambda i: (i, 0)),
        out_shape=jax.ShapeDtypeStruct((E, D), jnp.float32),
    )(a_rows, b_rows, edge_attr, w1, w2, we, bc)


def _scatter_body(m_hbm, dst3_hbm, zeros_hbm, out_hbm, idx_v, mbuf, agg,
                  sem0, sem1):
    c = lax.axis_index("c")
    s = lax.axis_index("s")
    wid = s * _NC + c
    base = wid * _EPW
    r0 = s * _ROWS_PT

    pltpu.sync_copy(dst3_hbm.at[wid], idx_v)

    def fire(i, sl, sem):
        off = base + i * _CH
        pltpu.async_copy(m_hbm.at[pl.ds(off, _CH)],
                         mbuf.at[pl.ds(sl * _CH, _CH)], sem)

    def drain(i, sl, sem):
        off = base + i * _CH
        pltpu.make_async_copy(m_hbm.at[pl.ds(off, _CH)],
                              mbuf.at[pl.ds(sl * _CH, _CH)], sem).wait()
        pltpu.sync_copy(mbuf.at[pl.ds(sl * _CH, _CH)],
                        agg.at[idx_v.at[i]], add=True)

    pltpu.sync_copy(zeros_hbm.at[pl.ds(r0, _ROWS_PT)],
                    agg.at[pl.ds(r0, _ROWS_PT)])
    plsc.subcore_barrier()

    fire(0, 0, sem0)

    def body(i, carry):
        @pl.when(i % 2 == 1)
        def _():
            fire(i, 1, sem1)
            drain(i - 1, 0, sem0)

        @pl.when(i % 2 == 0)
        def _():
            fire(i, 0, sem0)
            drain(i - 1, 1, sem1)

        return carry

    lax.fori_loop(1, _NSTEP, body, 0)
    drain(_NSTEP - 1, (_NSTEP - 1) % 2, sem0)
    plsc.subcore_barrier()
    pltpu.sync_copy(agg.at[pl.ds(r0, _ROWS_PT)],
                    out_hbm.at[c, pl.ds(r0, _ROWS_PT)])


_scatter = functools.partial(
    pl.kernel,
    out_type=jax.ShapeDtypeStruct((_NC, _NP, D), jnp.float32),
    mesh=plsc.VectorSubcoreMesh(core_axis_name="c", subcore_axis_name="s"),
    scratch_types=[
        pltpu.VMEM((_NSTEP, _CH), jnp.int32),
        pltpu.VMEM((2 * _CH, D), jnp.float32),
        pltpu.VMEM_SHARED((_NP, D), jnp.float32),
        pltpu.SemaphoreType.DMA,
        pltpu.SemaphoreType.DMA,
    ],
)(_scatter_body)


_NB = 2048


def _pool_body(p_ref, x_ref, batch_ref, out_ref, acc_ref):
    i = pl.program_id(0)

    @pl.when(i == 0)
    def _():
        acc_ref[...] = jnp.zeros_like(acc_ref)

    h = x_ref[...] + p_ref[0] + p_ref[1]
    gids = lax.broadcasted_iota(jnp.int32, (G, _NB), 0)
    oh = (gids == batch_ref[0]).astype(jnp.float32)
    acc_ref[...] += lax.dot_general(oh, h, (((1,), (0,)), ((), ())),
                                    precision=lax.Precision.HIGHEST,
                                    preferred_element_type=jnp.float32)

    @pl.when(i == (_NP // _NB) - 1)
    def _():
        out_ref[...] = acc_ref[...]


def _pool(partials, x, batch3d):
    grid = (_NP // _NB,)
    return pl.pallas_call(
        _pool_body,
        grid=grid,
        in_specs=[
            pl.BlockSpec((_NC, _NB, D), lambda i: (0, i, 0)),
            pl.BlockSpec((_NB, D), lambda i: (i, 0)),
            pl.BlockSpec((1, 1, _NB), lambda i: (i, 0, 0)),
        ],
        out_specs=pl.BlockSpec((G, D), lambda i: (0, 0)),
        out_shape=jax.ShapeDtypeStruct((G, D), jnp.float32),
        scratch_shapes=[pltpu.VMEM((G, D), jnp.float32)],
    )(partials, x, batch3d)


def kernel(x, edge_index, edge_attr, batch, Wf, bf, Ws, bs, Wo, bo):
    src = edge_index[0]
    dst = edge_index[1]

    w1 = jnp.concatenate([Wf[:, :D].T, Ws[:, :D].T], axis=1)
    w2 = jnp.concatenate([Wf[:, D:2 * D].T, Ws[:, D:2 * D].T], axis=1)
    we = jnp.concatenate([Wf[:, 2 * D:].T, Ws[:, 2 * D:].T], axis=1)
    bc = jnp.concatenate([bf, bs]).reshape(1, 2 * D)

    a_rows, b_rows = _gather(x, src, dst)
    m = _edge_mlp(a_rows, b_rows, edge_attr, w1, w2, we, bc)
    dst3 = dst.reshape(_NW, _NSTEP, _CH)
    partials = _scatter(m, dst3, jnp.zeros((_NP, D), jnp.float32))

    x_pad = jnp.concatenate([x, jnp.zeros((_NP - N, D), jnp.float32)])
    batch_pad = jnp.concatenate(
        [batch, jnp.full((_NP - N,), G - 1, jnp.int32)])
    pooled = _pool(partials, x_pad, batch_pad.reshape(_NP // _NB, 1, _NB))
    return pooled @ Wo.T + bo

# --- scband reference (transcript-rebuilt; emitter-appended) ---
"""Pipeline reference for scband-polyhedron-regression-model-12326556140167 (READ-ONLY COPY).

The authoritative reference and input builder live on the scoring server;
editing this copy changes nothing except your own understanding.
"""

import jax, jax.numpy as jnp
import numpy as np

N = 10000
E = 320000
D = 128
DE = 16
G = 128

def setup_inputs(seed: int = 0) -> dict:
    key = jax.random.key(seed)
    ks = jax.random.split(key, 10)
    x = jax.random.normal(ks[0], (N, D), dtype=jnp.float32)
    edge_index = jax.random.randint(ks[1], (2, E), 0, N, dtype=jnp.int32)
    edge_attr = jax.random.normal(ks[2], (E, DE), dtype=jnp.float32)
    batch = jnp.sort(jax.random.randint(ks[3], (N,), 0, G, dtype=jnp.int32))
    zin = 2 * D + DE
    sf = 1.0 / np.sqrt(zin)
    Wf = jax.random.uniform(ks[4], (D, zin), jnp.float32, -sf, sf)
    bf = jax.random.uniform(ks[5], (D,), jnp.float32, -sf, sf)
    Ws = jax.random.uniform(ks[6], (D, zin), jnp.float32, -sf, sf)
    bs = jax.random.uniform(ks[7], (D,), jnp.float32, -sf, sf)
    so = 1.0 / np.sqrt(D)
    Wo = jax.random.uniform(ks[8], (1, D), jnp.float32, -so, so)
    bo = jax.random.uniform(ks[9], (1,), jnp.float32, -so, so)
    return {"x": x, "edge_index": edge_index, "edge_attr": edge_attr, "batch": batch,
            "Wf": Wf, "bf": bf, "Ws": Ws, "bs": bs, "Wo": Wo, "bo": bo}

def reference(x, edge_index, edge_attr, batch, Wf, bf, Ws, bs, Wo, bo):
    # CGConv (aggr='add'): z = [x_i, x_j, e_ij]; m = sigmoid(lin_f(z)) * softplus(lin_s(z))
    src = edge_index[0]
    dst = edge_index[1]
    x_i = jnp.take(x, dst, axis=0)
    x_j = jnp.take(x, src, axis=0)
    z = jnp.concatenate([x_i, x_j, edge_attr], axis=-1)
    gate = jax.nn.sigmoid(z @ Wf.T + bf)
    core = jax.nn.softplus(z @ Ws.T + bs)
    m = gate * core
    agg = jax.ops.segment_sum(m, dst, num_segments=N)
    h = x + agg  # CGConv residual
    # global_add_pool over graph ids
    pooled = jax.ops.segment_sum(h, batch, num_segments=G)
    out = pooled @ Wo.T + bo
    return out

if __name__ == "__main__":
    import jax
    _d = setup_inputs()
    print(jax.jit(kernel)(*tuple(_d.values())))

</pallas_src>

<mosaic_0001>
#map = affine_map<(d0, d1) -> (0, 0)>
#map1 = affine_map<(d0, d1) -> (0)>
module attributes {stable_mosaic.version = 14 : i64} {
  func.func @_gather_body(%arg0: i32, %arg1: i32, %arg2: memref<10000x128xf32, #tpu.memory_space<hbm>>, %arg3: memref<320000xi32, #tpu.memory_space<hbm>>, %arg4: memref<320000xi32, #tpu.memory_space<hbm>>, %arg5: memref<320000x128xf32, #tpu.memory_space<hbm>>, %arg6: memref<320000x128xf32, #tpu.memory_space<hbm>>, %arg7: memref<10000xi32, #tpu.memory_space<vmem>>, %arg8: memref<10000xi32, #tpu.memory_space<vmem>>, %arg9: memref<160x128xf32, #tpu.memory_space<vmem>>, %arg10: memref<160x128xf32, #tpu.memory_space<vmem>>, %arg11: memref<!tpu.dma_semaphore, #tpu.memory_space<semaphore_mem>>, %arg12: memref<!tpu.dma_semaphore, #tpu.memory_space<semaphore_mem>>, %arg13: memref<!tpu.dma_semaphore, #tpu.memory_space<semaphore_mem>>, %arg14: memref<!tpu.dma_semaphore, #tpu.memory_space<semaphore_mem>>) attributes {dimension_semantics = [#tpu.dimension_semantics<core_parallel>, #tpu.dimension_semantics<subcore_parallel>], iteration_bounds = array<i64: 2, 16>, scalar_prefetch = 0 : i64, scratch_operands = 8 : i64, tpu.core_type = #tpu.core_type<sc_vector_subcore>, window_params = [{transform_indices = #map}, {transform_indices = #map1}, {transform_indices = #map1}, {transform_indices = #map}, {transform_indices = #map}]} {
    %mul3A = arith.constant 2 : i32
    %mul3A_0 = arith.muli %arg1, %mul3A : i32
    %add3A = arith.addi %mul3A_0, %arg0 : i32
    %mul3A_1 = arith.constant 10000 : i32
    %mul3A_2 = arith.muli %add3A, %mul3A_1 : i32
    "tpu.region"() ({
      %run_scoped3A = tpu.sem_alloc : memref<!tpu.dma_semaphore, #tpu.memory_space<semaphore_mem>>
      %dma_start3A_40 = tpu.memref_slice %arg4[%mul3A_2] : memref<320000xi32, #tpu.memory_space<hbm>> -> memref<10000xi32, #tpu.memory_space<hbm>>
      %dma_start3A_41 = tpu.memref_slice %arg4[%mul3A_2] : memref<320000xi32, #tpu.memory_space<hbm>> -> memref<10000xi32, #tpu.memory_space<hbm>>
      tpu.enqueue_dma source(%dma_start3A_41 : memref<10000xi32, #tpu.memory_space<hbm>>) target(%arg7 : memref<10000xi32, #tpu.memory_space<vmem>>) target_semaphore(%run_scoped3A : memref<!tpu.dma_semaphore, #tpu.memory_space<semaphore_mem>>)
      %dma_wait3A_42 = tpu.memref_slice %arg4[%mul3A_2] : memref<320000xi32, #tpu.memory_space<hbm>> -> memref<10000xi32, #tpu.memory_space<hbm>>
      %dma_wait3A_43 = tpu.memref_slice %arg4[%mul3A_2] : memref<320000xi32, #tpu.memory_space<hbm>> -> memref<10000xi32, #tpu.memory_space<hbm>>
      tpu.wait_dma2 semaphore(%run_scoped3A : memref<!tpu.dma_semaphore, #tpu.memory_space<semaphore_mem>>) src(%dma_wait3A_43 : memref<10000xi32, #tpu.memory_space<hbm>>) dst(%arg7 : memref<10000xi32, #tpu.memory_space<vmem>>)
      tpu.yield
    }) : () -> ()
    "tpu.region"() ({
      %run_scoped3A = tpu.sem_alloc : memref<!tpu.dma_semaphore, #tpu.memory_space<semaphore_mem>>
      %dma_start3A_40 = tpu.memref_slice %arg3[%mul3A_2] : memref<320000xi32, #tpu.memory_space<hbm>> -> memref<10000xi32, #tpu.memory_space<hbm>>
      %dma_start3A_41 = tpu.memref_slice %arg3[%mul3A_2] : memref<320000xi32, #tpu.memory_space<hbm>> -> memref<10000xi32, #tpu.memory_space<hbm>>
      tpu.enqueue_dma source(%dma_start3A_41 : memref<10000xi32, #tpu.memory_space<hbm>>) target(%arg8 : memref<10000xi32, #tpu.memory_space<vmem>>) target_semaphore(%run_scoped3A : memref<!tpu.dma_semaphore, #tpu.memory_space<semaphore_mem>>)
      %dma_wait3A_42 = tpu.memref_slice %arg3[%mul3A_2] : memref<320000xi32, #tpu.memory_space<hbm>> -> memref<10000xi32, #tpu.memory_space<hbm>>
      %dma_wait3A_43 = tpu.memref_slice %arg3[%mul3A_2] : memref<320000xi32, #tpu.memory_space<hbm>> -> memref<10000xi32, #tpu.memory_space<hbm>>
      tpu.wait_dma2 semaphore(%run_scoped3A : memref<!tpu.dma_semaphore, #tpu.memory_space<semaphore_mem>>) src(%dma_wait3A_43 : memref<10000xi32, #tpu.memory_space<hbm>>) dst(%arg8 : memref<10000xi32, #tpu.memory_space<vmem>>)
      tpu.yield
    }) : () -> ()
    %dma_start3A = arith.constant 0 : i32
    %dma_start3A_3 = arith.constant 0 : i32
    %dma_start3A_4 = tpu.memref_slice %arg9[%dma_start3A, %dma_start3A_3] : memref<160x128xf32, #tpu.memory_space<vmem>> -> memref<80x128xf32, #tpu.memory_space<vmem>>
    %dma_start3A_5 = arith.constant 0 : i32
    %dma_start3A_6 = tpu.memref_slice %arg7[%dma_start3A_5] : memref<10000xi32, #tpu.memory_space<vmem>> -> memref<80xi32, #tpu.memory_space<vmem>>
    %dma_start3A_7 = arith.constant 0 : i32
    %dma_start3A_8 = arith.constant 0 : i32
    %dma_start3A_9 = tpu.memref_slice %arg2[%dma_start3A_7, %dma_start3A_8] : memref<10000x128xf32, #tpu.memory_space<hbm>> -> memref<10000x128xf32, #tpu.memory_space<hbm>>
    tpu.enqueue_indirect_dma source(%dma_start3A_9 : memref<10000x128xf32, #tpu.memory_space<hbm>>) target(%dma_start3A_4 : memref<80x128xf32, #tpu.memory_space<vmem>>) offsets(%dma_start3A_6 : memref<80xi32, #tpu.memory_space<vmem>>) semaphore(%arg11 : memref<!tpu.dma_semaphore, #tpu.memory_space<semaphore_mem>>)
    %dma_start3A_10 = arith.constant 0 : i32
    %dma_start3A_11 = arith.constant 0 : i32
    %dma_start3A_12 = tpu.memref_slice %arg10[%dma_start3A_10, %dma_start3A_11] : memref<160x128xf32, #tpu.memory_space<vmem>> -> memref<80x128xf32, #tpu.memory_space<vmem>>
    %dma_start3A_13 = arith.constant 0 : i32
    %dma_start3A_14 = tpu.memref_slice %arg8[%dma_start3A_13] : memref<10000xi32, #tpu.memory_space<vmem>> -> memref<80xi32, #tpu.memory_space<vmem>>
    %dma_start3A_15 = arith.constant 0 : i32
    %dma_start3A_16 = arith.constant 0 : i32
    %dma_start3A_17 = tpu.memref_slice %arg2[%dma_start3A_15, %dma_start3A_16] : memref<10000x128xf32, #tpu.memory_space<hbm>> -> memref<10000x128xf32, #tpu.memory_space<hbm>>
    tpu.enqueue_indirect_dma source(%dma_start3A_17 : memref<10000x128xf32, #tpu.memory_space<hbm>>) target(%dma_start3A_12 : memref<80x128xf32, #tpu.memory_space<vmem>>) offsets(%dma_start3A_14 : memref<80xi32, #tpu.memory_space<vmem>>) semaphore(%arg12 : memref<!tpu.dma_semaphore, #tpu.memory_space<semaphore_mem>>)
    %scan3A = arith.constant 0 : i32
    %scan3A_18 = arith.constant 1 : i32
    %scan3A_19 = arith.constant 124 : i32
    %scan3A_20 = arith.addi %scan3A_18, %scan3A_19 : i32
    %scan3A_21 = arith.constant 1 : i32
    scf.for %scan3A_40 = %scan3A_18 to %scan3A_20 step %scan3A_21  : i32 {
      %jit3A = arith.constant 2 : i32
      %eq3A = arith.constant 0 : i32
      %eq3A_41 = arith.cmpi eq, %jit3A, %eq3A : i32
      %jit3A_42 = arith.constant 1 : i32
      %select_n3A = arith.select %eq3A_41, %jit3A_42, %jit3A : i32
      %rem3A = arith.remsi %scan3A_40, %select_n3A : i32
      %ne3A = arith.constant 0 : i32
      %ne3A_43 = arith.cmpi ne, %rem3A, %ne3A : i32
      %lt3A = arith.constant 0 : i32
      %lt3A_44 = arith.cmpi slt, %rem3A, %lt3A : i32
      %lt3A_45 = arith.constant 0 : i32
      %lt3A_46 = arith.cmpi slt, %select_n3A, %lt3A_45 : i32
      %ne3A_47 = arith.xori %lt3A_44, %lt3A_46 : i1
      %and3A = arith.andi %ne3A_47, %ne3A_43 : i1
      %add3A_48 = arith.addi %rem3A, %select_n3A : i32
      %select_n3A_49 = arith.select %and3A, %add3A_48, %rem3A : i32
      %eq3A_50 = arith.constant 1 : i32
      %eq3A_51 = arith.cmpi eq, %select_n3A_49, %eq3A_50 : i32
      %convert_element_type3A = arith.extui %eq3A_51 : i1 to i32
      %cond3A = arith.constant 0 : i32
      %cond3A_52 = arith.cmpi ne, %convert_element_type3A, %cond3A : i32
      scf.if %cond3A_52 {
        %mul3A_74 = arith.constant 80 : i32
        %mul3A_75 = arith.muli %scan3A_40, %mul3A_74 : i32
        %dma_start3A_76 = arith.constant 80 : i32
        %dma_start3A_77 = arith.constant 0 : i32
        %dma_start3A_78 = tpu.memref_slice %arg9[%dma_start3A_76, %dma_start3A_77] : memref<160x128xf32, #tpu.memory_space<vmem>> -> memref<80x128xf32, #tpu.memory_space<vmem>>
        %dma_start3A_79 = tpu.memref_slice %arg7[%mul3A_75] : memref<10000xi32, #tpu.memory_space<vmem>> -> memref<80xi32, #tpu.memory_space<vmem>>
        %dma_start3A_80 = arith.constant 0 : i32
        %dma_start3A_81 = arith.constant 0 : i32
        %dma_start3A_82 = tpu.memref_slice %arg2[%dma_start3A_80, %dma_start3A_81] : memref<10000x128xf32, #tpu.memory_space<hbm>> -> memref<10000x128xf32, #tpu.memory_space<hbm>>
        tpu.enqueue_indirect_dma source(%dma_start3A_82 : memref<10000x128xf32, #tpu.memory_space<hbm>>) target(%dma_start3A_78 : memref<80x128xf32, #tpu.memory_space<vmem>>) offsets(%dma_start3A_79 : memref<80xi32, #tpu.memory_space<vmem>>) semaphore(%arg13 : memref<!tpu.dma_semaphore, #tpu.memory_space<semaphore_mem>>)
        %mul3A_83 = arith.constant 80 : i32
        %mul3A_84 = arith.muli %scan3A_40, %mul3A_83 : i32
        %dma_start3A_85 = arith.constant 80 : i32
        %dma_start3A_86 = arith.constant 0 : i32
        %dma_start3A_87 = tpu.memref_slice %arg10[%dma_start3A_85, %dma_start3A_86] : memref<160x128xf32, #tpu.memory_space<vmem>> -> memref<80x128xf32, #tpu.memory_space<vmem>>
        %dma_start3A_88 = tpu.memref_slice %arg8[%mul3A_84] : memref<10000xi32, #tpu.memory_space<vmem>> -> memref<80xi32, #tpu.memory_space<vmem>>
        %dma_start3A_89 = arith.constant 0 : i32
        %dma_start3A_90 = arith.constant 0 : i32
        %dma_start3A_91 = tpu.memref_slice %arg2[%dma_start3A_89, %dma_start3A_90] : memref<10000x128xf32, #tpu.memory_space<hbm>> -> memref<10000x128xf32, #tpu.memory_space<hbm>>
        tpu.enqueue_indirect_dma source(%dma_start3A_91 : memref<10000x128xf32, #tpu.memory_space<hbm>>) target(%dma_start3A_87 : memref<80x128xf32, #tpu.memory_space<vmem>>) offsets(%dma_start3A_88 : memref<80xi32, #tpu.memory_space<vmem>>) semaphore(%arg14 : memref<!tpu.dma_semaphore, #tpu.memory_space<semaphore_mem>>)
        %sub3A = arith.constant 1 : i32
        %sub3A_92 = arith.subi %scan3A_40, %sub3A : i32
        %mul3A_93 = arith.constant 80 : i32
        %mul3A_94 = arith.muli %sub3A_92, %mul3A_93 : i32
        %add3A_95 = arith.addi %mul3A_2, %mul3A_94 : i32
        %mul3A_96 = arith.constant 80 : i32
        %mul3A_97 = arith.muli %sub3A_92, %mul3A_96 : i32
        %dma_wait3A_98 = arith.constant 0 : i32
        %dma_wait3A_99 = arith.constant 0 : i32
        %dma_wait3A_100 = tpu.memref_slice %arg9[%dma_wait3A_98, %dma_wait3A_99] : memref<160x128xf32, #tpu.memory_space<vmem>> -> memref<80x128xf32, #tpu.memory_space<vmem>>
        %dma_wait3A_101 = tpu.memref_slice %arg7[%mul3A_97] : memref<10000xi32, #tpu.memory_space<vmem>> -> memref<80xi32, #tpu.memory_space<vmem>>
        %dma_wait3A_102 = arith.constant 0 : i32
        %dma_wait3A_103 = arith.constant 0 : i32
        %dma_wait3A_104 = tpu.memref_slice %arg2[%dma_wait3A_102, %dma_wait3A_103] : memref<10000x128xf32, #tpu.memory_space<hbm>> -> memref<10000x128xf32, #tpu.memory_space<hbm>>
        tpu.wait_indirect_dma semaphore(%arg11 : memref<!tpu.dma_semaphore, #tpu.memory_space<semaphore_mem>>) src(%dma_wait3A_104 : memref<10000x128xf32, #tpu.memory_space<hbm>>) dst(%dma_wait3A_100 : memref<80x128xf32, #tpu.memory_space<vmem>>)
        %mul3A_105 = arith.constant 80 : i32
        %mul3A_106 = arith.muli %sub3A_92, %mul3A_105 : i32
        %dma_wait3A_107 = arith.constant 0 : i32
        %dma_wait3A_108 = arith.constant 0 : i32
        %dma_wait3A_109 = tpu.memref_slice %arg10[%dma_wait3A_107, %dma_wait3A_108] : memref<160x128xf32, #tpu.memory_space<vmem>> -> memref<80x128xf32, #tpu.memory_space<vmem>>
        %dma_wait3A_110 = tpu.memref_slice %arg8[%mul3A_106] : memref<10000xi32, #tpu.memory_space<vmem>> -> memref<80xi32, #tpu.memory_space<vmem>>
        %dma_wait3A_111 = arith.constant 0 : i32
        %dma_wait3A_112 = arith.constant 0 : i32
        %dma_wait3A_113 = tpu.memref_slice %arg2[%dma_wait3A_111, %dma_wait3A_112] : memref<10000x128xf32, #tpu.memory_space<hbm>> -> memref<10000x128xf32, #tpu.memory_space<hbm>>
        tpu.wait_indirect_dma semaphore(%arg12 : memref<!tpu.dma_semaphore, #tpu.memory_space<semaphore_mem>>) src(%dma_wait3A_113 : memref<10000x128xf32, #tpu.memory_space<hbm>>) dst(%dma_wait3A_109 : memref<80x128xf32, #tpu.memory_space<vmem>>)
        "tpu.region"() ({
          %run_scoped3A = tpu.sem_alloc : memref<!tpu.dma_semaphore, #tpu.memory_space<semaphore_mem>>
          %dma_start3A_114 = arith.constant 0 : i32
          %dma_start3A_115 = arith.constant 0 : i32
          %dma_start3A_116 = tpu.memref_slice %arg9[%dma_start3A_114, %dma_start3A_115] : memref<160x128xf32, #tpu.memory_space<vmem>> -> memref<80x128xf32, #tpu.memory_space<vmem>>
          %dma_start3A_117 = arith.constant 0 : i32
          %dma_start3A_118 = tpu.memref_slice %arg5[%add3A_95, %dma_start3A_117] : memref<320000x128xf32, #tpu.memory_space<hbm>> -> memref<80x128xf32, #tpu.memory_space<hbm>>
          %dma_start3A_119 = arith.constant 0 : i32
          %dma_start3A_120 = tpu.memref_slice %arg5[%add3A_95, %dma_start3A_119] : memref<320000x128xf32, #tpu.memory_space<hbm>> -> memref<80x128xf32, #tpu.memory_space<hbm>>
          %dma_start3A_121 = arith.constant 0 : i32
          %dma_start3A_122 = arith.constant 0 : i32
          %dma_start3A_123 = tpu.memref_slice %arg9[%dma_start3A_121, %dma_start3A_122] : memref<160x128xf32, #tpu.memory_space<vmem>> -> memref<80x128xf32, #tpu.memory_space<vmem>>
          tpu.enqueue_dma source(%dma_start3A_123 : memref<80x128xf32, #tpu.memory_space<vmem>>) target(%dma_start3A_120 : memref<80x128xf32, #tpu.memory_space<hbm>>) target_semaphore(%run_scoped3A : memref<!tpu.dma_semaphore, #tpu.memory_space<semaphore_mem>>)
          %dma_wait3A_124 = arith.constant 0 : i32
          %dma_wait3A_125 = arith.constant 0 : i32
          %dma_wait3A_126 = tpu.memref_slice %arg9[%dma_wait3A_124, %dma_wait3A_125] : memref<160x128xf32, #tpu.memory_space<vmem>> -> memref<80x128xf32, #tpu.memory_space<vmem>>
          %dma_wait3A_127 = arith.constant 0 : i32
          %dma_wait3A_128 = tpu.memref_slice %arg5[%add3A_95, %dma_wait3A_127] : memref<320000x128xf32, #tpu.memory_space<hbm>> -> memref<80x128xf32, #tpu.memory_space<hbm>>
          %dma_wait3A_129 = arith.constant 0 : i32
          %dma_wait3A_130 = tpu.memref_slice %arg5[%add3A_95, %dma_wait3A_129] : memref<320000x128xf32, #tpu.memory_space<hbm>> -> memref<80x128xf32, #tpu.memory_space<hbm>>
          %dma_wait3A_131 = arith.constant 0 : i32
          %dma_wait3A_132 = arith.constant 0 : i32
          %dma_wait3A_133 = tpu.memref_slice %arg9[%dma_wait3A_131, %dma_wait3A_132] : memref<160x128xf32, #tpu.memory_space<vmem>> -> memref<80x128xf32, #tpu.memory_space<vmem>>
          tpu.wait_dma2 semaphore(%run_scoped3A : memref<!tpu.dma_semaphore, #tpu.memory_space<semaphore_mem>>) src(%dma_wait3A_133 : memref<80x128xf32, #tpu.memory_space<vmem>>) dst(%dma_wait3A_130 : memref<80x128xf32, #tpu.memory_space<hbm>>)
          tpu.yield
        }) : () -> ()
        "tpu.region"() ({
          %run_scoped3A = tpu.sem_alloc : memref<!tpu.dma_semaphore, #tpu.memory_space<semaphore_mem>>
          %dma_start3A_114 = arith.constant 0 : i32
          %dma_start3A_115 = arith.constant 0 : i32
          %dma_start3A_116 = tpu.memref_slice %arg10[%dma_start3A_114, %dma_start3A_115] : memref<160x128xf32, #tpu.memory_space<vmem>> -> memref<80x128xf32, #tpu.memory_space<vmem>>
          %dma_start3A_117 = arith.constant 0 : i32
          %dma_start3A_118 = tpu.memref_slice %arg6[%add3A_95, %dma_start3A_117] : memref<320000x128xf32, #tpu.memory_space<hbm>> -> memref<80x128xf32, #tpu.memory_space<hbm>>
          %dma_start3A_119 = arith.constant 0 : i32
          %dma_start3A_120 = tpu.memref_slice %arg6[%add3A_95, %dma_start3A_119] : memref<320000x128xf32, #tpu.memory_space<hbm>> -> memref<80x128xf32, #tpu.memory_space<hbm>>
          %dma_start3A_121 = arith.constant 0 : i32
          %dma_start3A_122 = arith.constant 0 : i32
          %dma_start3A_123 = tpu.memref_slice %arg10[%dma_start3A_121, %dma_start3A_122] : memref<160x128xf32, #tpu.memory_space<vmem>> -> memref<80x128xf32, #tpu.memory_space<vmem>>
          tpu.enqueue_dma source(%dma_start3A_123 : memref<80x128xf32, #tpu.memory_space<vmem>>) target(%dma_start3A_120 : memref<80x128xf32, #tpu.memory_space<hbm>>) target_semaphore(%run_scoped3A : memref<!tpu.dma_semaphore, #tpu.memory_space<semaphore_mem>>)
          %dma_wait3A_124 = arith.constant 0 : i32
          %dma_wait3A_125 = arith.constant 0 : i32
          %dma_wait3A_126 = tpu.memref_slice %arg10[%dma_wait3A_124, %dma_wait3A_125] : memref<160x128xf32, #tpu.memory_space<vmem>> -> memref<80x128xf32, #tpu.memory_space<vmem>>
          %dma_wait3A_127 = arith.constant 0 : i32
          %dma_wait3A_128 = tpu.memref_slice %arg6[%add3A_95, %dma_wait3A_127] : memref<320000x128xf32, #tpu.memory_space<hbm>> -> memref<80x128xf32, #tpu.memory_space<hbm>>
          %dma_wait3A_129 = arith.constant 0 : i32
          %dma_wait3A_130 = tpu.memref_slice %arg6[%add3A_95, %dma_wait3A_129] : memref<320000x128xf32, #tpu.memory_space<hbm>> -> memref<80x128xf32, #tpu.memory_space<hbm>>
          %dma_wait3A_131 = arith.constant 0 : i32
          %dma_wait3A_132 = arith.constant 0 : i32
          %dma_wait3A_133 = tpu.memref_slice %arg10[%dma_wait3A_131, %dma_wait3A_132] : memref<160x128xf32, #tpu.memory_space<vmem>> -> memref<80x128xf32, #tpu.memory_space<vmem>>
          tpu.wait_dma2 semaphore(%run_scoped3A : memref<!tpu.dma_semaphore, #tpu.memory_space<semaphore_mem>>) src(%dma_wait3A_133 : memref<80x128xf32, #tpu.memory_space<vmem>>) dst(%dma_wait3A_130 : memref<80x128xf32, #tpu.memory_space<hbm>>)
          tpu.yield
        }) : () -> ()
      } else {
      }
      %jit3A_53 = arith.constant 2 : i32
      %eq3A_54 = arith.constant 0 : i32
      %eq3A_55 = arith.cmpi eq, %jit3A_53, %eq3A_54 : i32
      %jit3A_56 = arith.constant 1 : i32
      %select_n3A_57 = arith.select %eq3A_55, %jit3A_56, %jit3A_53 : i32
      %rem3A_58 = arith.remsi %scan3A_40, %select_n3A_57 : i32
      %ne3A_59 = arith.constant 0 : i32
      %ne3A_60 = arith.cmpi ne, %rem3A_58, %ne3A_59 : i32
      %lt3A_61 = arith.constant 0 : i32
      %lt3A_62 = arith.cmpi slt, %rem3A_58, %lt3A_61 : i32
      %lt3A_63 = arith.constant 0 : i32
      %lt3A_64 = arith.cmpi slt, %select_n3A_57, %lt3A_63 : i32
      %ne3A_65 = arith.xori %lt3A_62, %lt3A_64 : i1
      %and3A_66 = arith.andi %ne3A_65, %ne3A_60 : i1
      %add3A_67 = arith.addi %rem3A_58, %select_n3A_57 : i32
      %select_n3A_68 = arith.select %and3A_66, %add3A_67, %rem3A_58 : i32
      %eq3A_69 = arith.constant 0 : i32
      %eq3A_70 = arith.cmpi eq, %select_n3A_68, %eq3A_69 : i32
      %convert_element_type3A_71 = arith.extui %eq3A_70 : i1 to i32
      %cond3A_72 = arith.constant 0 : i32
      %cond3A_73 = arith.cmpi ne, %convert_element_type3A_71, %cond3A_72 : i32
      scf.if %cond3A_73 {
        %mul3A_74 = arith.constant 80 : i32
        %mul3A_75 = arith.muli %scan3A_40, %mul3A_74 : i32
        %dma_start3A_76 = arith.constant 0 : i32
        %dma_start3A_77 = arith.constant 0 : i32
        %dma_start3A_78 = tpu.memref_slice %arg9[%dma_start3A_76, %dma_start3A_77] : memref<160x128xf32, #tpu.memory_space<vmem>> -> memref<80x128xf32, #tpu.memory_space<vmem>>
        %dma_start3A_79 = tpu.memref_slice %arg7[%mul3A_75] : memref<10000xi32, #tpu.memory_space<vmem>> -> memref<80xi32, #tpu.memory_space<vmem>>
        %dma_start3A_80 = arith.constant 0 : i32
        %dma_start3A_81 = arith.constant 0 : i32
        %dma_start3A_82 = tpu.memref_slice %arg2[%dma_start3A_80, %dma_start3A_81] : memref<10000x128xf32, #tpu.memory_space<hbm>> -> memref<10000x128xf32, #tpu.memory_space<hbm>>
        tpu.enqueue_indirect_dma source(%dma_start3A_82 : memref<10000x128xf32, #tpu.memory_space<hbm>>) target(%dma_start3A_78 : memref<80x128xf32, #tpu.memory_space<vmem>>) offsets(%dma_start3A_79 : memref<80xi32, #tpu.memory_space<vmem>>) semaphore(%arg11 : memref<!tpu.dma_semaphore, #tpu.memory_space<semaphore_mem>>)
        %mul3A_83 = arith.constant 80 : i32
        %mul3A_84 = arith.muli %scan3A_40, %mul3A_83 : i32
        %dma_start3A_85 = arith.constant 0 : i32
        %dma_start3A_86 = arith.constant 0 : i32
        %dma_start3A_87 = tpu.memref_slice %arg10[%dma_start3A_85, %dma_start3A_86] : memref<160x128xf32, #tpu.memory_space<vmem>> -> memref<80x128xf32, #tpu.memory_space<vmem>>
        %dma_start3A_88 = tpu.memref_slice %arg8[%mul3A_84] : memref<10000xi32, #tpu.memory_space<vmem>> -> memref<80xi32, #tpu.memory_space<vmem>>
        %dma_start3A_89 = arith.constant 0 : i32
        %dma_start3A_90 = arith.constant 0 : i32
        %dma_start3A_91 = tpu.memref_slice %arg2[%dma_start3A_89, %dma_start3A_90] : memref<10000x128xf32, #tpu.memory_space<hbm>> -> memref<10000x128xf32, #tpu.memory_space<hbm>>
        tpu.enqueue_indirect_dma source(%dma_start3A_91 : memref<10000x128xf32, #tpu.memory_space<hbm>>) target(%dma_start3A_87 : memref<80x128xf32, #tpu.memory_space<vmem>>) offsets(%dma_start3A_88 : memref<80xi32, #tpu.memory_space<vmem>>) semaphore(%arg12 : memref<!tpu.dma_semaphore, #tpu.memory_space<semaphore_mem>>)
        %sub3A = arith.constant 1 : i32
        %sub3A_92 = arith.subi %scan3A_40, %sub3A : i32
        %mul3A_93 = arith.constant 80 : i32
        %mul3A_94 = arith.muli %sub3A_92, %mul3A_93 : i32
        %add3A_95 = arith.addi %mul3A_2, %mul3A_94 : i32
        %mul3A_96 = arith.constant 80 : i32
        %mul3A_97 = arith.muli %sub3A_92, %mul3A_96 : i32
        %dma_wait3A_98 = arith.constant 80 : i32
        %dma_wait3A_99 = arith.constant 0 : i32
        %dma_wait3A_100 = tpu.memref_slice %arg9[%dma_wait3A_98, %dma_wait3A_99] : memref<160x128xf32, #tpu.memory_space<vmem>> -> memref<80x128xf32, #tpu.memory_space<vmem>>
        %dma_wait3A_101 = tpu.memref_slice %arg7[%mul3A_97] : memref<10000xi32, #tpu.memory_space<vmem>> -> memref<80xi32, #tpu.memory_space<vmem>>
        %dma_wait3A_102 = arith.constant 0 : i32
        %dma_wait3A_103 = arith.constant 0 : i32
        %dma_wait3A_104 = tpu.memref_slice %arg2[%dma_wait3A_102, %dma_wait3A_103] : memref<10000x128xf32, #tpu.memory_space<hbm>> -> memref<10000x128xf32, #tpu.memory_space<hbm>>
        tpu.wait_indirect_dma semaphore(%arg13 : memref<!tpu.dma_semaphore, #tpu.memory_space<semaphore_mem>>) src(%dma_wait3A_104 : memref<10000x128xf32, #tpu.memory_space<hbm>>) dst(%dma_wait3A_100 : memref<80x128xf32, #tpu.memory_space<vmem>>)
        %mul3A_105 = arith.constant 80 : i32
        %mul3A_106 = arith.muli %sub3A_92, %mul3A_105 : i32
        %dma_wait3A_107 = arith.constant 80 : i32
        %dma_wait3A_108 = arith.constant 0 : i32
        %dma_wait3A_109 = tpu.memref_slice %arg10[%dma_wait3A_107, %dma_wait3A_108] : memref<160x128xf32, #tpu.memory_space<vmem>> -> memref<80x128xf32, #tpu.memory_space<vmem>>
        %dma_wait3A_110 = tpu.memref_slice %arg8[%mul3A_106] : memref<10000xi32, #tpu.memory_space<vmem>> -> memref<80xi32, #tpu.memory_space<vmem>>
        %dma_wait3A_111 = arith.constant 0 : i32
        %dma_wait3A_112 = arith.constant 0 : i32
        %dma_wait3A_113 = tpu.memref_slice %arg2[%dma_wait3A_111, %dma_wait3A_112] : memref<10000x128xf32, #tpu.memory_space<hbm>> -> memref<10000x128xf32, #tpu.memory_space<hbm>>
        tpu.wait_indirect_dma semaphore(%arg14 : memref<!tpu.dma_semaphore, #tpu.memory_space<semaphore_mem>>) src(%dma_wait3A_113 : memref<10000x128xf32, #tpu.memory_space<hbm>>) dst(%dma_wait3A_109 : memref<80x128xf32, #tpu.memory_space<vmem>>)
        "tpu.region"() ({
          %run_scoped3A = tpu.sem_alloc : memref<!tpu.dma_semaphore, #tpu.memory_space<semaphore_mem>>
          %dma_start3A_114 = arith.constant 80 : i32
          %dma_start3A_115 = arith.constant 0 : i32
          %dma_start3A_116 = tpu.memref_slice %arg9[%dma_start3A_114, %dma_start3A_115] : memref<160x128xf32, #tpu.memory_space<vmem>> -> memref<80x128xf32, #tpu.memory_space<vmem>>
          %dma_start3A_117 = arith.constant 0 : i32
          %dma_start3A_118 = tpu.memref_slice %arg5[%add3A_95, %dma_start3A_117] : memref<320000x128xf32, #tpu.memory_space<hbm>> -> memref<80x128xf32, #tpu.memory_space<hbm>>
          %dma_start3A_119 = arith.constant 0 : i32
          %dma_start3A_120 = tpu.memref_slice %arg5[%add3A_95, %dma_start3A_119] : memref<320000x128xf32, #tpu.memory_space<hbm>> -> memref<80x128xf32, #tpu.memory_space<hbm>>
          %dma_start3A_121 = arith.constant 80 : i32
          %dma_start3A_122 = arith.constant 0 : i32
          %dma_start3A_123 = tpu.memref_slice %arg9[%dma_start3A_121, %dma_start3A_122] : memref<160x128xf32, #tpu.memory_space<vmem>> -> memref<80x128xf32, #tpu.memory_space<vmem>>
          tpu.enqueue_dma source(%dma_start3A_123 : memref<80x128xf32, #tpu.memory_space<vmem>>) target(%dma_start3A_120 : memref<80x128xf32, #tpu.memory_space<hbm>>) target_semaphore(%run_scoped3A : memref<!tpu.dma_semaphore, #tpu.memory_space<semaphore_mem>>)
          %dma_wait3A_124 = arith.constant 80 : i32
          %dma_wait3A_125 = arith.constant 0 : i32
          %dma_wait3A_126 = tpu.memref_slice %arg9[%dma_wait3A_124, %dma_wait3A_125] : memref<160x128xf32, #tpu.memory_space<vmem>> -> memref<80x128xf32, #tpu.memory_space<vmem>>
          %dma_wait3A_127 = arith.constant 0 : i32
          %dma_wait3A_128 = tpu.memref_slice %arg5[%add3A_95, %dma_wait3A_127] : memref<320000x128xf32, #tpu.memory_space<hbm>> -> memref<80x128xf32, #tpu.memory_space<hbm>>
          %dma_wait3A_129 = arith.constant 0 : i32
          %dma_wait3A_130 = tpu.memref_slice %arg5[%add3A_95, %dma_wait3A_129] : memref<320000x128xf32, #tpu.memory_space<hbm>> -> memref<80x128xf32, #tpu.memory_space<hbm>>
          %dma_wait3A_131 = arith.constant 80 : i32
          %dma_wait3A_132 = arith.constant 0 : i32
          %dma_wait3A_133 = tpu.memref_slice %arg9[%dma_wait3A_131, %dma_wait3A_132] : memref<160x128xf32, #tpu.memory_space<vmem>> -> memref<80x128xf32, #tpu.memory_space<vmem>>
          tpu.wait_dma2 semaphore(%run_scoped3A : memref<!tpu.dma_semaphore, #tpu.memory_space<semaphore_mem>>) src(%dma_wait3A_133 : memref<80x128xf32, #tpu.memory_space<vmem>>) dst(%dma_wait3A_130 : memref<80x128xf32, #tpu.memory_space<hbm>>)
          tpu.yield
        }) : () -> ()
        "tpu.region"() ({
          %run_scoped3A = tpu.sem_alloc : memref<!tpu.dma_semaphore, #tpu.memory_space<semaphore_mem>>
          %dma_start3A_114 = arith.constant 80 : i32
          %dma_start3A_115 = arith.constant 0 : i32
          %dma_start3A_116 = tpu.memref_slice %arg10[%dma_start3A_114, %dma_start3A_115] : memref<160x128xf32, #tpu.memory_space<vmem>> -> memref<80x128xf32, #tpu.memory_space<vmem>>
          %dma_start3A_117 = arith.constant 0 : i32
          %dma_start3A_118 = tpu.memref_slice %arg6[%add3A_95, %dma_start3A_117] : memref<320000x128xf32, #tpu.memory_space<hbm>> -> memref<80x128xf32, #tpu.memory_space<hbm>>
          %dma_start3A_119 = arith.constant 0 : i32
          %dma_start3A_120 = tpu.memref_slice %arg6[%add3A_95, %dma_start3A_119] : memref<320000x128xf32, #tpu.memory_space<hbm>> -> memref<80x128xf32, #tpu.memory_space<hbm>>
          %dma_start3A_121 = arith.constant 80 : i32
          %dma_start3A_122 = arith.constant 0 : i32
          %dma_start3A_123 = tpu.memref_slice %arg10[%dma_start3A_121, %dma_start3A_122] : memref<160x128xf32, #tpu.memory_space<vmem>> -> memref<80x128xf32, #tpu.memory_space<vmem>>
          tpu.enqueue_dma source(%dma_start3A_123 : memref<80x128xf32, #tpu.memory_space<vmem>>) target(%dma_start3A_120 : memref<80x128xf32, #tpu.memory_space<hbm>>) target_semaphore(%run_scoped3A : memref<!tpu.dma_semaphore, #tpu.memory_space<semaphore_mem>>)
          %dma_wait3A_124 = arith.constant 80 : i32
          %dma_wait3A_125 = arith.constant 0 : i32
          %dma_wait3A_126 = tpu.memref_slice %arg10[%dma_wait3A_124, %dma_wait3A_125] : memref<160x128xf32, #tpu.memory_space<vmem>> -> memref<80x128xf32, #tpu.memory_space<vmem>>
          %dma_wait3A_127 = arith.constant 0 : i32
          %dma_wait3A_128 = tpu.memref_slice %arg6[%add3A_95, %dma_wait3A_127] : memref<320000x128xf32, #tpu.memory_space<hbm>> -> memref<80x128xf32, #tpu.memory_space<hbm>>
          %dma_wait3A_129 = arith.constant 0 : i32
          %dma_wait3A_130 = tpu.memref_slice %arg6[%add3A_95, %dma_wait3A_129] : memref<320000x128xf32, #tpu.memory_space<hbm>> -> memref<80x128xf32, #tpu.memory_space<hbm>>
          %dma_wait3A_131 = arith.constant 80 : i32
          %dma_wait3A_132 = arith.constant 0 : i32
          %dma_wait3A_133 = tpu.memref_slice %arg10[%dma_wait3A_131, %dma_wait3A_132] : memref<160x128xf32, #tpu.memory_space<vmem>> -> memref<80x128xf32, #tpu.memory_space<vmem>>
          tpu.wait_dma2 semaphore(%run_scoped3A : memref<!tpu.dma_semaphore, #tpu.memory_space<semaphore_mem>>) src(%dma_wait3A_133 : memref<80x128xf32, #tpu.memory_space<vmem>>) dst(%dma_wait3A_130 : memref<80x128xf32, #tpu.memory_space<hbm>>)
          tpu.yield
        }) : () -> ()
      } else {
      }
    }
    %scan3A_22 = arith.constant 124 : i32
    %add3A_23 = arith.constant 9920 : i32
    %add3A_24 = arith.addi %mul3A_2, %add3A_23 : i32
    %dma_wait3A = arith.constant 0 : i32
    %dma_wait3A_25 = arith.constant 0 : i32
    %dma_wait3A_26 = tpu.memref_slice %arg9[%dma_wait3A, %dma_wait3A_25] : memref<160x128xf32, #tpu.memory_space<vmem>> -> memref<80x128xf32, #tpu.memory_space<vmem>>
    %dma_wait3A_27 = arith.constant 9920 : i32
    %dma_wait3A_28 = tpu.memref_slice %arg7[%dma_wait3A_27] : memref<10000xi32, #tpu.memory_space<vmem>> -> memref<80xi32, #tpu.memory_space<vmem>>
    %dma_wait3A_29 = arith.constant 0 : i32
    %dma_wait3A_30 = arith.constant 0 : i32
    %dma_wait3A_31 = tpu.memref_slice %arg2[%dma_wait3A_29, %dma_wait3A_30] : memref<10000x128xf32, #tpu.memory_space<hbm>> -> memref<10000x128xf32, #tpu.memory_space<hbm>>
    tpu.wait_indirect_dma semaphore(%arg11 : memref<!tpu.dma_semaphore, #tpu.memory_space<semaphore_mem>>) src(%dma_wait3A_31 : memref<10000x128xf32, #tpu.memory_space<hbm>>) dst(%dma_wait3A_26 : memref<80x128xf32, #tpu.memory_space<vmem>>)
    %dma_wait3A_32 = arith.constant 0 : i32
    %dma_wait3A_33 = arith.constant 0 : i32
    %dma_wait3A_34 = tpu.memref_slice %arg10[%dma_wait3A_32, %dma_wait3A_33] : memref<160x128xf32, #tpu.memory_space<vmem>> -> memref<80x128xf32, #tpu.memory_space<vmem>>
    %dma_wait3A_35 = arith.constant 9920 : i32
    %dma_wait3A_36 = tpu.memref_slice %arg8[%dma_wait3A_35] : memref<10000xi32, #tpu.memory_space<vmem>> -> memref<80xi32, #tpu.memory_space<vmem>>
    %dma_wait3A_37 = arith.constant 0 : i32
    %dma_wait3A_38 = arith.constant 0 : i32
    %dma_wait3A_39 = tpu.memref_slice %arg2[%dma_wait3A_37, %dma_wait3A_38] : memref<10000x128xf32, #tpu.memory_space<hbm>> -> memref<10000x128xf32, #tpu.memory_space<hbm>>
    tpu.wait_indirect_dma semaphore(%arg12 : memref<!tpu.dma_semaphore, #tpu.memory_space<semaphore_mem>>) src(%dma_wait3A_39 : memref<10000x128xf32, #tpu.memory_space<hbm>>) dst(%dma_wait3A_34 : memref<80x128xf32, #tpu.memory_space<vmem>>)
    "tpu.region"() ({
      %run_scoped3A = tpu.sem_alloc : memref<!tpu.dma_semaphore, #tpu.memory_space<semaphore_mem>>
      %dma_start3A_40 = arith.constant 0 : i32
      %dma_start3A_41 = arith.constant 0 : i32
      %dma_start3A_42 = tpu.memref_slice %arg9[%dma_start3A_40, %dma_start3A_41] : memref<160x128xf32, #tpu.memory_space<vmem>> -> memref<80x128xf32, #tpu.memory_space<vmem>>
      %dma_start3A_43 = arith.constant 0 : i32
      %dma_start3A_44 = tpu.memref_slice %arg5[%add3A_24, %dma_start3A_43] : memref<320000x128xf32, #tpu.memory_space<hbm>> -> memref<80x128xf32, #tpu.memory_space<hbm>>
      %dma_start3A_45 = arith.constant 0 : i32
      %dma_start3A_46 = tpu.memref_slice %arg5[%add3A_24, %dma_start3A_45] : memref<320000x128xf32, #tpu.memory_space<hbm>> -> memref<80x128xf32, #tpu.memory_space<hbm>>
      %dma_start3A_47 = arith.constant 0 : i32
      %dma_start3A_48 = arith.constant 0 : i32
      %dma_start3A_49 = tpu.memref_slice %arg9[%dma_start3A_47, %dma_start3A_48] : memref<160x128xf32, #tpu.memory_space<vmem>> -> memref<80x128xf32, #tpu.memory_space<vmem>>
      tpu.enqueue_dma source(%dma_start3A_49 : memref<80x128xf32, #tpu.memory_space<vmem>>) target(%dma_start3A_46 : memref<80x128xf32, #tpu.memory_space<hbm>>) target_semaphore(%run_scoped3A : memref<!tpu.dma_semaphore, #tpu.memory_space<semaphore_mem>>)
      %dma_wait3A_50 = arith.constant 0 : i32
      %dma_wait3A_51 = arith.constant 0 : i32
      %dma_wait3A_52 = tpu.memref_slice %arg9[%dma_wait3A_50, %dma_wait3A_51] : memref<160x128xf32, #tpu.memory_space<vmem>> -> memref<80x128xf32, #tpu.memory_space<vmem>>
      %dma_wait3A_53 = arith.constant 0 : i32
      %dma_wait3A_54 = tpu.memref_slice %arg5[%add3A_24, %dma_wait3A_53] : memref<320000x128xf32, #tpu.memory_space<hbm>> -> memref<80x128xf32, #tpu.memory_space<hbm>>
      %dma_wait3A_55 = arith.constant 0 : i32
      %dma_wait3A_56 = tpu.memref_slice %arg5[%add3A_24, %dma_wait3A_55] : memref<320000x128xf32, #tpu.memory_space<hbm>> -> memref<80x128xf32, #tpu.memory_space<hbm>>
      %dma_wait3A_57 = arith.constant 0 : i32
      %dma_wait3A_58 = arith.constant 0 : i32
      %dma_wait3A_59 = tpu.memref_slice %arg9[%dma_wait3A_57, %dma_wait3A_58] : memref<160x128xf32, #tpu.memory_space<vmem>> -> memref<80x128xf32, #tpu.memory_space<vmem>>
      tpu.wait_dma2 semaphore(%run_scoped3A : memref<!tpu.dma_semaphore, #tpu.memory_space<semaphore_mem>>) src(%dma_wait3A_59 : memref<80x128xf32, #tpu.memory_space<vmem>>) dst(%dma_wait3A_56 : memref<80x128xf32, #tpu.memory_space<hbm>>)
      tpu.yield
    }) : () -> ()
    "tpu.region"() ({
      %run_scoped3A = tpu.sem_alloc : memref<!tpu.dma_semaphore, #tpu.memory_space<semaphore_mem>>
      %dma_start3A_40 = arith.constant 0 : i32
      %dma_start3A_41 = arith.constant 0 : i32
      %dma_start3A_42 = tpu.memref_slice %arg10[%dma_start3A_40, %dma_start3A_41] : memref<160x128xf32, #tpu.memory_space<vmem>> -> memref<80x128xf32, #tpu.memory_space<vmem>>
      %dma_start3A_43 = arith.constant 0 : i32
      %dma_start3A_44 = tpu.memref_slice %arg6[%add3A_24, %dma_start3A_43] : memref<320000x128xf32, #tpu.memory_space<hbm>> -> memref<80x128xf32, #tpu.memory_space<hbm>>
      %dma_start3A_45 = arith.constant 0 : i32
      %dma_start3A_46 = tpu.memref_slice %arg6[%add3A_24, %dma_start3A_45] : memref<320000x128xf32, #tpu.memory_space<hbm>> -> memref<80x128xf32, #tpu.memory_space<hbm>>
      %dma_start3A_47 = arith.constant 0 : i32
      %dma_start3A_48 = arith.constant 0 : i32
      %dma_start3A_49 = tpu.memref_slice %arg10[%dma_start3A_47, %dma_start3A_48] : memref<160x128xf32, #tpu.memory_space<vmem>> -> memref<80x128xf32, #tpu.memory_space<vmem>>
      tpu.enqueue_dma source(%dma_start3A_49 : memref<80x128xf32, #tpu.memory_space<vmem>>) target(%dma_start3A_46 : memref<80x128xf32, #tpu.memory_space<hbm>>) target_semaphore(%run_scoped3A : memref<!tpu.dma_semaphore, #tpu.memory_space<semaphore_mem>>)
      %dma_wait3A_50 = arith.constant 0 : i32
      %dma_wait3A_51 = arith.constant 0 : i32
      %dma_wait3A_52 = tpu.memref_slice %arg10[%dma_wait3A_50, %dma_wait3A_51] : memref<160x128xf32, #tpu.memory_space<vmem>> -> memref<80x128xf32, #tpu.memory_space<vmem>>
      %dma_wait3A_53 = arith.constant 0 : i32
      %dma_wait3A_54 = tpu.memref_slice %arg6[%add3A_24, %dma_wait3A_53] : memref<320000x128xf32, #tpu.memory_space<hbm>> -> memref<80x128xf32, #tpu.memory_space<hbm>>
      %dma_wait3A_55 = arith.constant 0 : i32
      %dma_wait3A_56 = tpu.memref_slice %arg6[%add3A_24, %dma_wait3A_55] : memref<320000x128xf32, #tpu.memory_space<hbm>> -> memref<80x128xf32, #tpu.memory_space<hbm>>
      %dma_wait3A_57 = arith.constant 0 : i32
      %dma_wait3A_58 = arith.constant 0 : i32
      %dma_wait3A_59 = tpu.memref_slice %arg10[%dma_wait3A_57, %dma_wait3A_58] : memref<160x128xf32, #tpu.memory_space<vmem>> -> memref<80x128xf32, #tpu.memory_space<vmem>>
      tpu.wait_dma2 semaphore(%run_scoped3A : memref<!tpu.dma_semaphore, #tpu.memory_space<semaphore_mem>>) src(%dma_wait3A_59 : memref<80x128xf32, #tpu.memory_space<vmem>>) dst(%dma_wait3A_56 : memref<80x128xf32, #tpu.memory_space<hbm>>)
      tpu.yield
    }) : () -> ()
    return
  }
}

#map = affine_map<(d0, d1) -> (0, 0)>
#map1 = affine_map<(d0, d1) -> (0, 0, 0)>
module attributes {stable_mosaic.version = 14 : i64} {
  func.func @_scatter_body(%arg0: i32, %arg1: i32, %arg2: memref<320000x128xf32, #tpu.memory_space<hbm>>, %arg3: memref<32x125x80xi32, #tpu.memory_space<hbm>>, %arg4: memref<10240x128xf32, #tpu.memory_space<hbm>>, %arg5: memref<2x10240x128xf32, #tpu.memory_space<hbm>>, %arg6: memref<125x80xi32, #tpu.memory_space<vmem>>, %arg7: memref<160x128xf32, #tpu.memory_space<vmem>>, %arg8: memref<10240x128xf32, #tpu.memory_space<vmem_shared>>, %arg9: memref<!tpu.dma_semaphore, #tpu.memory_space<semaphore_mem>>, %arg10: memref<!tpu.dma_semaphore, #tpu.memory_space<semaphore_mem>>) attributes {dimension_semantics = [#tpu.dimension_semantics<core_parallel>, #tpu.dimension_semantics<subcore_parallel>], iteration_bounds = array<i64: 2, 16>, scalar_prefetch = 0 : i64, scratch_operands = 5 : i64, tpu.core_type = #tpu.core_type<sc_vector_subcore>, window_params = [{transform_indices = #map}, {transform_indices = #map1}, {transform_indices = #map}, {transform_indices = #map1}]} {
    %mul3A = arith.constant 2 : i32
    %mul3A_0 = arith.muli %arg1, %mul3A : i32
    %add3A = arith.addi %mul3A_0, %arg0 : i32
    %mul3A_1 = arith.constant 10000 : i32
    %mul3A_2 = arith.muli %add3A, %mul3A_1 : i32
    %mul3A_3 = arith.constant 640 : i32
    %mul3A_4 = arith.muli %arg1, %mul3A_3 : i32
    "tpu.region"() ({
      %run_scoped3A_33 = tpu.sem_alloc : memref<!tpu.dma_semaphore, #tpu.memory_space<semaphore_mem>>
      %dma_start3A_34 = arith.constant 0 : i32
      %dma_start3A_35 = arith.constant 0 : i32
      %dma_start3A_36 = tpu.memref_slice %arg3[%add3A, %dma_start3A_34, %dma_start3A_35] : memref<32x125x80xi32, #tpu.memory_space<hbm>> -> memref<1x125x80xi32, #tpu.memory_space<hbm>>
      %dma_start3A_37 = tpu.memref_squeeze %dma_start3A_36 : memref<1x125x80xi32, #tpu.memory_space<hbm>> -> memref<125x80xi32, #tpu.memory_space<hbm>>
      %dma_start3A_38 = arith.constant 0 : i32
      %dma_start3A_39 = arith.constant 0 : i32
      %dma_start3A_40 = tpu.memref_slice %arg3[%add3A, %dma_start3A_38, %dma_start3A_39] : memref<32x125x80xi32, #tpu.memory_space<hbm>> -> memref<1x125x80xi32, #tpu.memory_space<hbm>>
      %dma_start3A_41 = tpu.memref_squeeze %dma_start3A_40 : memref<1x125x80xi32, #tpu.memory_space<hbm>> -> memref<125x80xi32, #tpu.memory_space<hbm>>
      tpu.enqueue_dma source(%dma_start3A_41 : memref<125x80xi32, #tpu.memory_space<hbm>>) target(%arg6 : memref<125x80xi32, #tpu.memory_space<vmem>>) target_semaphore(%run_scoped3A_33 : memref<!tpu.dma_semaphore, #tpu.memory_space<semaphore_mem>>)
      %dma_wait3A_42 = arith.constant 0 : i32
      %dma_wait3A_43 = arith.constant 0 : i32
      %dma_wait3A_44 = tpu.memref_slice %arg3[%add3A, %dma_wait3A_42, %dma_wait3A_43] : memref<32x125x80xi32, #tpu.memory_space<hbm>> -> memref<1x125x80xi32, #tpu.memory_space<hbm>>
      %dma_wait3A_45 = tpu.memref_squeeze %dma_wait3A_44 : memref<1x125x80xi32, #tpu.memory_space<hbm>> -> memref<125x80xi32, #tpu.memory_space<hbm>>
      %dma_wait3A_46 = arith.constant 0 : i32
      %dma_wait3A_47 = arith.constant 0 : i32
      %dma_wait3A_48 = tpu.memref_slice %arg3[%add3A, %dma_wait3A_46, %dma_wait3A_47] : memref<32x125x80xi32, #tpu.memory_space<hbm>> -> memref<1x125x80xi32, #tpu.memory_space<hbm>>
      %dma_wait3A_49 = tpu.memref_squeeze %dma_wait3A_48 : memref<1x125x80xi32, #tpu.memory_space<hbm>> -> memref<125x80xi32, #tpu.memory_space<hbm>>
      tpu.wait_dma2 semaphore(%run_scoped3A_33 : memref<!tpu.dma_semaphore, #tpu.memory_space<semaphore_mem>>) src(%dma_wait3A_49 : memref<125x80xi32, #tpu.memory_space<hbm>>) dst(%arg6 : memref<125x80xi32, #tpu.memory_space<vmem>>)
      tpu.yield
    }) : () -> ()
    "tpu.region"() ({
      %run_scoped3A_33 = tpu.sem_alloc : memref<!tpu.dma_semaphore, #tpu.memory_space<semaphore_mem>>
      %dma_start3A_34 = arith.constant 0 : i32
      %dma_start3A_35 = tpu.memref_slice %arg8[%mul3A_4, %dma_start3A_34] : memref<10240x128xf32, #tpu.memory_space<vmem_shared>> -> memref<640x128xf32, #tpu.memory_space<vmem_shared>>
      %dma_start3A_36 = arith.constant 0 : i32
      %dma_start3A_37 = tpu.memref_slice %arg4[%mul3A_4, %dma_start3A_36] : memref<10240x128xf32, #tpu.memory_space<hbm>> -> memref<640x128xf32, #tpu.memory_space<hbm>>
      tpu.enqueue_dma source(%dma_start3A_37 : memref<640x128xf32, #tpu.memory_space<hbm>>) target(%dma_start3A_35 : memref<640x128xf32, #tpu.memory_space<vmem_shared>>) target_semaphore(%run_scoped3A_33 : memref<!tpu.dma_semaphore, #tpu.memory_space<semaphore_mem>>)
      %dma_wait3A_38 = arith.constant 0 : i32
      %dma_wait3A_39 = tpu.memref_slice %arg8[%mul3A_4, %dma_wait3A_38] : memref<10240x128xf32, #tpu.memory_space<vmem_shared>> -> memref<640x128xf32, #tpu.memory_space<vmem_shared>>
      %dma_wait3A_40 = arith.constant 0 : i32
      %dma_wait3A_41 = tpu.memref_slice %arg4[%mul3A_4, %dma_wait3A_40] : memref<10240x128xf32, #tpu.memory_space<hbm>> -> memref<640x128xf32, #tpu.memory_space<hbm>>
      tpu.wait_dma2 semaphore(%run_scoped3A_33 : memref<!tpu.dma_semaphore, #tpu.memory_space<semaphore_mem>>) src(%dma_wait3A_41 : memref<640x128xf32, #tpu.memory_space<hbm>>) dst(%dma_wait3A_39 : memref<640x128xf32, #tpu.memory_space<vmem_shared>>)
      tpu.yield
    }) : () -> ()
    %barrier3A = arith.constant 0 : index
    tpu.barrier barrier_id(%barrier3A)
    %add3A_5 = arith.constant 0 : i32
    %add3A_6 = arith.addi %mul3A_2, %add3A_5 : i32
    %dma_start3A = arith.constant 0 : i32
    %dma_start3A_7 = arith.constant 0 : i32
    %dma_start3A_8 = tpu.memref_slice %arg7[%dma_start3A, %dma_start3A_7] : memref<160x128xf32, #tpu.memory_space<vmem>> -> memref<80x128xf32, #tpu.memory_space<vmem>>
    %dma_start3A_9 = arith.constant 0 : i32
    %dma_start3A_10 = tpu.memref_slice %arg2[%add3A_6, %dma_start3A_9] : memref<320000x128xf32, #tpu.memory_space<hbm>> -> memref<80x128xf32, #tpu.memory_space<hbm>>
    %dma_start3A_11 = arith.constant 0 : i32
    %dma_start3A_12 = arith.constant 0 : i32
    %dma_start3A_13 = tpu.memref_slice %arg7[%dma_start3A_11, %dma_start3A_12] : memref<160x128xf32, #tpu.memory_space<vmem>> -> memref<80x128xf32, #tpu.memory_space<vmem>>
    %dma_start3A_14 = arith.constant 0 : i32
    %dma_start3A_15 = tpu.memref_slice %arg2[%add3A_6, %dma_start3A_14] : memref<320000x128xf32, #tpu.memory_space<hbm>> -> memref<80x128xf32, #tpu.memory_space<hbm>>
    tpu.enqueue_dma source(%dma_start3A_15 : memref<80x128xf32, #tpu.memory_space<hbm>>) target(%dma_start3A_13 : memref<80x128xf32, #tpu.memory_space<vmem>>) target_semaphore(%arg9 : memref<!tpu.dma_semaphore, #tpu.memory_space<semaphore_mem>>)
    %scan3A = arith.constant 0 : i32
    %scan3A_16 = arith.constant 1 : i32
    %scan3A_17 = arith.constant 124 : i32
    %scan3A_18 = arith.addi %scan3A_16, %scan3A_17 : i32
    %scan3A_19 = arith.constant 1 : i32
    scf.for %scan3A_33 = %scan3A_16 to %scan3A_18 step %scan3A_19  : i32 {
      %jit3A = arith.constant 2 : i32
      %eq3A = arith.constant 0 : i32
      %eq3A_34 = arith.cmpi eq, %jit3A, %eq3A : i32
      %jit3A_35 = arith.constant 1 : i32
      %select_n3A = arith.select %eq3A_34, %jit3A_35, %jit3A : i32
      %rem3A = arith.remsi %scan3A_33, %select_n3A : i32
      %ne3A = arith.constant 0 : i32
      %ne3A_36 = arith.cmpi ne, %rem3A, %ne3A : i32
      %lt3A = arith.constant 0 : i32
      %lt3A_37 = arith.cmpi slt, %rem3A, %lt3A : i32
      %lt3A_38 = arith.constant 0 : i32
      %lt3A_39 = arith.cmpi slt, %select_n3A, %lt3A_38 : i32
      %ne3A_40 = arith.xori %lt3A_37, %lt3A_39 : i1
      %and3A = arith.andi %ne3A_40, %ne3A_36 : i1
      %add3A_41 = arith.addi %rem3A, %select_n3A : i32
      %select_n3A_42 = arith.select %and3A, %add3A_41, %rem3A : i32
      %eq3A_43 = arith.constant 1 : i32
      %eq3A_44 = arith.cmpi eq, %select_n3A_42, %eq3A_43 : i32
      %convert_element_type3A = arith.extui %eq3A_44 : i1 to i32
      %cond3A = arith.constant 0 : i32
      %cond3A_45 = arith.cmpi ne, %convert_element_type3A, %cond3A : i32
      scf.if %cond3A_45 {
        %mul3A_67 = arith.constant 80 : i32
        %mul3A_68 = arith.muli %scan3A_33, %mul3A_67 : i32
        %add3A_69 = arith.addi %mul3A_2, %mul3A_68 : i32
        %dma_start3A_70 = arith.constant 80 : i32
        %dma_start3A_71 = arith.constant 0 : i32
        %dma_start3A_72 = tpu.memref_slice %arg7[%dma_start3A_70, %dma_start3A_71] : memref<160x128xf32, #tpu.memory_space<vmem>> -> memref<80x128xf32, #tpu.memory_space<vmem>>
        %dma_start3A_73 = arith.constant 0 : i32
        %dma_start3A_74 = tpu.memref_slice %arg2[%add3A_69, %dma_start3A_73] : memref<320000x128xf32, #tpu.memory_space<hbm>> -> memref<80x128xf32, #tpu.memory_space<hbm>>
        %dma_start3A_75 = arith.constant 80 : i32
        %dma_start3A_76 = arith.constant 0 : i32
        %dma_start3A_77 = tpu.memref_slice %arg7[%dma_start3A_75, %dma_start3A_76] : memref<160x128xf32, #tpu.memory_space<vmem>> -> memref<80x128xf32, #tpu.memory_space<vmem>>
        %dma_start3A_78 = arith.constant 0 : i32
        %dma_start3A_79 = tpu.memref_slice %arg2[%add3A_69, %dma_start3A_78] : memref<320000x128xf32, #tpu.memory_space<hbm>> -> memref<80x128xf32, #tpu.memory_space<hbm>>
        tpu.enqueue_dma source(%dma_start3A_79 : memref<80x128xf32, #tpu.memory_space<hbm>>) target(%dma_start3A_77 : memref<80x128xf32, #tpu.memory_space<vmem>>) target_semaphore(%arg10 : memref<!tpu.dma_semaphore, #tpu.memory_space<semaphore_mem>>)
        %sub3A = arith.constant 1 : i32
        %sub3A_80 = arith.subi %scan3A_33, %sub3A : i32
        %mul3A_81 = arith.constant 80 : i32
        %mul3A_82 = arith.muli %sub3A_80, %mul3A_81 : i32
        %add3A_83 = arith.addi %mul3A_2, %mul3A_82 : i32
        %dma_wait3A_84 = arith.constant 0 : i32
        %dma_wait3A_85 = arith.constant 0 : i32
        %dma_wait3A_86 = tpu.memref_slice %arg7[%dma_wait3A_84, %dma_wait3A_85] : memref<160x128xf32, #tpu.memory_space<vmem>> -> memref<80x128xf32, #tpu.memory_space<vmem>>
        %dma_wait3A_87 = arith.constant 0 : i32
        %dma_wait3A_88 = tpu.memref_slice %arg2[%add3A_83, %dma_wait3A_87] : memref<320000x128xf32, #tpu.memory_space<hbm>> -> memref<80x128xf32, #tpu.memory_space<hbm>>
        %dma_wait3A_89 = arith.constant 0 : i32
        %dma_wait3A_90 = arith.constant 0 : i32
        %dma_wait3A_91 = tpu.memref_slice %arg7[%dma_wait3A_89, %dma_wait3A_90] : memref<160x128xf32, #tpu.memory_space<vmem>> -> memref<80x128xf32, #tpu.memory_space<vmem>>
        %dma_wait3A_92 = arith.constant 0 : i32
        %dma_wait3A_93 = tpu.memref_slice %arg2[%add3A_83, %dma_wait3A_92] : memref<320000x128xf32, #tpu.memory_space<hbm>> -> memref<80x128xf32, #tpu.memory_space<hbm>>
        tpu.wait_dma2 semaphore(%arg9 : memref<!tpu.dma_semaphore, #tpu.memory_space<semaphore_mem>>) src(%dma_wait3A_93 : memref<80x128xf32, #tpu.memory_space<hbm>>) dst(%dma_wait3A_91 : memref<80x128xf32, #tpu.memory_space<vmem>>)
        "tpu.region"() ({
          %run_scoped3A_94 = tpu.sem_alloc : memref<!tpu.dma_semaphore, #tpu.memory_space<semaphore_mem>>
          %dma_start3A_95 = arith.constant 0 : i32
          %dma_start3A_96 = arith.constant 0 : i32
          %dma_start3A_97 = tpu.memref_slice %arg7[%dma_start3A_95, %dma_start3A_96] : memref<160x128xf32, #tpu.memory_space<vmem>> -> memref<80x128xf32, #tpu.memory_space<vmem>>
          %dma_start3A_98 = arith.constant 0 : i32
          %dma_start3A_99 = tpu.memref_slice %arg6[%sub3A_80, %dma_start3A_98] : memref<125x80xi32, #tpu.memory_space<vmem>> -> memref<1x80xi32, #tpu.memory_space<vmem>>
          %dma_start3A_100 = tpu.memref_squeeze %dma_start3A_99 : memref<1x80xi32, #tpu.memory_space<vmem>> -> memref<80xi32, #tpu.memory_space<vmem>>
          %dma_start3A_101 = arith.constant 0 : i32
          %dma_start3A_102 = arith.constant 0 : i32
          %dma_start3A_103 = tpu.memref_slice %arg8[%dma_start3A_101, %dma_start3A_102] : memref<10240x128xf32, #tpu.memory_space<vmem_shared>> -> memref<10240x128xf32, #tpu.memory_space<vmem_shared>>
          tpu.enqueue_indirect_dma source(%dma_start3A_97 : memref<80x128xf32, #tpu.memory_space<vmem>>) target(%dma_start3A_103 : memref<10240x128xf32, #tpu.memory_space<vmem_shared>>) offsets(%dma_start3A_100 : memref<80xi32, #tpu.memory_space<vmem>>) semaphore(%run_scoped3A_94 : memref<!tpu.dma_semaphore, #tpu.memory_space<semaphore_mem>>) {add = true}
          %dma_wait3A_104 = arith.constant 0 : i32
          %dma_wait3A_105 = arith.constant 0 : i32
          %dma_wait3A_106 = tpu.memref_slice %arg7[%dma_wait3A_104, %dma_wait3A_105] : memref<160x128xf32, #tpu.memory_space<vmem>> -> memref<80x128xf32, #tpu.memory_space<vmem>>
          %dma_wait3A_107 = arith.constant 0 : i32
          %dma_wait3A_108 = tpu.memref_slice %arg6[%sub3A_80, %dma_wait3A_107] : memref<125x80xi32, #tpu.memory_space<vmem>> -> memref<1x80xi32, #tpu.memory_space<vmem>>
          %dma_wait3A_109 = tpu.memref_squeeze %dma_wait3A_108 : memref<1x80xi32, #tpu.memory_space<vmem>> -> memref<80xi32, #tpu.memory_space<vmem>>
          %dma_wait3A_110 = arith.constant 0 : i32
          %dma_wait3A_111 = arith.constant 0 : i32
          %dma_wait3A_112 = tpu.memref_slice %arg8[%dma_wait3A_110, %dma_wait3A_111] : memref<10240x128xf32, #tpu.memory_space<vmem_shared>> -> memref<10240x128xf32, #tpu.memory_space<vmem_shared>>
          tpu.wait_indirect_dma semaphore(%run_scoped3A_94 : memref<!tpu.dma_semaphore, #tpu.memory_space<semaphore_mem>>) src(%dma_wait3A_106 : memref<80x128xf32, #tpu.memory_space<vmem>>) dst(%dma_wait3A_112 : memref<10240x128xf32, #tpu.memory_space<vmem_shared>>)
          tpu.yield
        }) : () -> ()
      } else {
      }
      %jit3A_46 = arith.constant 2 : i32
      %eq3A_47 = arith.constant 0 : i32
      %eq3A_48 = arith.cmpi eq, %jit3A_46, %eq3A_47 : i32
      %jit3A_49 = arith.constant 1 : i32
      %select_n3A_50 = arith.select %eq3A_48, %jit3A_49, %jit3A_46 : i32
      %rem3A_51 = arith.remsi %scan3A_33, %select_n3A_50 : i32
      %ne3A_52 = arith.constant 0 : i32
      %ne3A_53 = arith.cmpi ne, %rem3A_51, %ne3A_52 : i32
      %lt3A_54 = arith.constant 0 : i32
      %lt3A_55 = arith.cmpi slt, %rem3A_51, %lt3A_54 : i32
      %lt3A_56 = arith.constant 0 : i32
      %lt3A_57 = arith.cmpi slt, %select_n3A_50, %lt3A_56 : i32
      %ne3A_58 = arith.xori %lt3A_55, %lt3A_57 : i1
      %and3A_59 = arith.andi %ne3A_58, %ne3A_53 : i1
      %add3A_60 = arith.addi %rem3A_51, %select_n3A_50 : i32
      %select_n3A_61 = arith.select %and3A_59, %add3A_60, %rem3A_51 : i32
      %eq3A_62 = arith.constant 0 : i32
      %eq3A_63 = arith.cmpi eq, %select_n3A_61, %eq3A_62 : i32
      %convert_element_type3A_64 = arith.extui %eq3A_63 : i1 to i32
      %cond3A_65 = arith.constant 0 : i32
      %cond3A_66 = arith.cmpi ne, %convert_element_type3A_64, %cond3A_65 : i32
      scf.if %cond3A_66 {
        %mul3A_67 = arith.constant 80 : i32
        %mul3A_68 = arith.muli %scan3A_33, %mul3A_67 : i32
        %add3A_69 = arith.addi %mul3A_2, %mul3A_68 : i32
        %dma_start3A_70 = arith.constant 0 : i32
        %dma_start3A_71 = arith.constant 0 : i32
        %dma_start3A_72 = tpu.memref_slice %arg7[%dma_start3A_70, %dma_start3A_71] : memref<160x128xf32, #tpu.memory_space<vmem>> -> memref<80x128xf32, #tpu.memory_space<vmem>>
        %dma_start3A_73 = arith.constant 0 : i32
        %dma_start3A_74 = tpu.memref_slice %arg2[%add3A_69, %dma_start3A_73] : memref<320000x128xf32, #tpu.memory_space<hbm>> -> memref<80x128xf32, #tpu.memory_space<hbm>>
        %dma_start3A_75 = arith.constant 0 : i32
        %dma_start3A_76 = arith.constant 0 : i32
        %dma_start3A_77 = tpu.memref_slice %arg7[%dma_start3A_75, %dma_start3A_76] : memref<160x128xf32, #tpu.memory_space<vmem>> -> memref<80x128xf32, #tpu.memory_space<vmem>>
        %dma_start3A_78 = arith.constant 0 : i32
        %dma_start3A_79 = tpu.memref_slice %arg2[%add3A_69, %dma_start3A_78] : memref<320000x128xf32, #tpu.memory_space<hbm>> -> memref<80x128xf32, #tpu.memory_space<hbm>>
        tpu.enqueue_dma source(%dma_start3A_79 : memref<80x128xf32, #tpu.memory_space<hbm>>) target(%dma_start3A_77 : memref<80x128xf32, #tpu.memory_space<vmem>>) target_semaphore(%arg9 : memref<!tpu.dma_semaphore, #tpu.memory_space<semaphore_mem>>)
        %sub3A = arith.constant 1 : i32
        %sub3A_80 = arith.subi %scan3A_33, %sub3A : i32
        %mul3A_81 = arith.constant 80 : i32
        %mul3A_82 = arith.muli %sub3A_80, %mul3A_81 : i32
        %add3A_83 = arith.addi %mul3A_2, %mul3A_82 : i32
        %dma_wait3A_84 = arith.constant 80 : i32
        %dma_wait3A_85 = arith.constant 0 : i32
        %dma_wait3A_86 = tpu.memref_slice %arg7[%dma_wait3A_84, %dma_wait3A_85] : memref<160x128xf32, #tpu.memory_space<vmem>> -> memref<80x128xf32, #tpu.memory_space<vmem>>
        %dma_wait3A_87 = arith.constant 0 : i32
        %dma_wait3A_88 = tpu.memref_slice %arg2[%add3A_83, %dma_wait3A_87] : memref<320000x128xf32, #tpu.memory_space<hbm>> -> memref<80x128xf32, #tpu.memory_space<hbm>>
        %dma_wait3A_89 = arith.constant 80 : i32
        %dma_wait3A_90 = arith.constant 0 : i32
        %dma_wait3A_91 = tpu.memref_slice %arg7[%dma_wait3A_89, %dma_wait3A_90] : memref<160x128xf32, #tpu.memory_space<vmem>> -> memref<80x128xf32, #tpu.memory_space<vmem>>
        %dma_wait3A_92 = arith.constant 0 : i32
        %dma_wait3A_93 = tpu.memref_slice %arg2[%add3A_83, %dma_wait3A_92] : memref<320000x128xf32, #tpu.memory_space<hbm>> -> memref<80x128xf32, #tpu.memory_space<hbm>>
        tpu.wait_dma2 semaphore(%arg10 : memref<!tpu.dma_semaphore, #tpu.memory_space<semaphore_mem>>) src(%dma_wait3A_93 : memref<80x128xf32, #tpu.memory_space<hbm>>) dst(%dma_wait3A_91 : memref<80x128xf32, #tpu.memory_space<vmem>>)
        "tpu.region"() ({
          %run_scoped3A_94 = tpu.sem_alloc : memref<!tpu.dma_semaphore, #tpu.memory_space<semaphore_mem>>
          %dma_start3A_95 = arith.constant 80 : i32
          %dma_start3A_96 = arith.constant 0 : i32
          %dma_start3A_97 = tpu.memref_slice %arg7[%dma_start3A_95, %dma_start3A_96] : memref<160x128xf32, #tpu.memory_space<vmem>> -> memref<80x128xf32, #tpu.memory_space<vmem>>
          %dma_start3A_98 = arith.constant 0 : i32
          %dma_start3A_99 = tpu.memref_slice %arg6[%sub3A_80, %dma_start3A_98] : memref<125x80xi32, #tpu.memory_space<vmem>> -> memref<1x80xi32, #tpu.memory_space<vmem>>
          %dma_start3A_100 = tpu.memref_squeeze %dma_start3A_99 : memref<1x80xi32, #tpu.memory_space<vmem>> -> memref<80xi32, #tpu.memory_space<vmem>>
          %dma_start3A_101 = arith.constant 0 : i32
          %dma_start3A_102 = arith.constant 0 : i32
          %dma_start3A_103 = tpu.memref_slice %arg8[%dma_start3A_101, %dma_start3A_102] : memref<10240x128xf32, #tpu.memory_space<vmem_shared>> -> memref<10240x128xf32, #tpu.memory_space<vmem_shared>>
          tpu.enqueue_indirect_dma source(%dma_start3A_97 : memref<80x128xf32, #tpu.memory_space<vmem>>) target(%dma_start3A_103 : memref<10240x128xf32, #tpu.memory_space<vmem_shared>>) offsets(%dma_start3A_100 : memref<80xi32, #tpu.memory_space<vmem>>) semaphore(%run_scoped3A_94 : memref<!tpu.dma_semaphore, #tpu.memory_space<semaphore_mem>>) {add = true}
          %dma_wait3A_104 = arith.constant 80 : i32
          %dma_wait3A_105 = arith.constant 0 : i32
          %dma_wait3A_106 = tpu.memref_slice %arg7[%dma_wait3A_104, %dma_wait3A_105] : memref<160x128xf32, #tpu.memory_space<vmem>> -> memref<80x128xf32, #tpu.memory_space<vmem>>
          %dma_wait3A_107 = arith.constant 0 : i32
          %dma_wait3A_108 = tpu.memref_slice %arg6[%sub3A_80, %dma_wait3A_107] : memref<125x80xi32, #tpu.memory_space<vmem>> -> memref<1x80xi32, #tpu.memory_space<vmem>>
          %dma_wait3A_109 = tpu.memref_squeeze %dma_wait3A_108 : memref<1x80xi32, #tpu.memory_space<vmem>> -> memref<80xi32, #tpu.memory_space<vmem>>
          %dma_wait3A_110 = arith.constant 0 : i32
          %dma_wait3A_111 = arith.constant 0 : i32
          %dma_wait3A_112 = tpu.memref_slice %arg8[%dma_wait3A_110, %dma_wait3A_111] : memref<10240x128xf32, #tpu.memory_space<vmem_shared>> -> memref<10240x128xf32, #tpu.memory_space<vmem_shared>>
          tpu.wait_indirect_dma semaphore(%run_scoped3A_94 : memref<!tpu.dma_semaphore, #tpu.memory_space<semaphore_mem>>) src(%dma_wait3A_106 : memref<80x128xf32, #tpu.memory_space<vmem>>) dst(%dma_wait3A_112 : memref<10240x128xf32, #tpu.memory_space<vmem_shared>>)
          tpu.yield
        }) : () -> ()
      } else {
      }
    }
    %scan3A_20 = arith.constant 124 : i32
    %add3A_21 = arith.constant 9920 : i32
    %add3A_22 = arith.addi %mul3A_2, %add3A_21 : i32
    %dma_wait3A = arith.constant 0 : i32
    %dma_wait3A_23 = arith.constant 0 : i32
    %dma_wait3A_24 = tpu.memref_slice %arg7[%dma_wait3A, %dma_wait3A_23] : memref<160x128xf32, #tpu.memory_space<vmem>> -> memref<80x128xf32, #tpu.memory_space<vmem>>
    %dma_wait3A_25 = arith.constant 0 : i32
    %dma_wait3A_26 = tpu.memref_slice %arg2[%add3A_22, %dma_wait3A_25] : memref<320000x128xf32, #tpu.memory_space<hbm>> -> memref<80x128xf32, #tpu.memory_space<hbm>>
    %dma_wait3A_27 = arith.constant 0 : i32
    %dma_wait3A_28 = arith.constant 0 : i32
    %dma_wait3A_29 = tpu.memref_slice %arg7[%dma_wait3A_27, %dma_wait3A_28] : memref<160x128xf32, #tpu.memory_space<vmem>> -> memref<80x128xf32, #tpu.memory_space<vmem>>
    %dma_wait3A_30 = arith.constant 0 : i32
    %dma_wait3A_31 = tpu.memref_slice %arg2[%add3A_22, %dma_wait3A_30] : memref<320000x128xf32, #tpu.memory_space<hbm>> -> memref<80x128xf32, #tpu.memory_space<hbm>>
    tpu.wait_dma2 semaphore(%arg9 : memref<!tpu.dma_semaphore, #tpu.memory_space<semaphore_mem>>) src(%dma_wait3A_31 : memref<80x128xf32, #tpu.memory_space<hbm>>) dst(%dma_wait3A_29 : memref<80x128xf32, #tpu.memory_space<vmem>>)
    %run_scoped3A = arith.constant 124 : i32
    "tpu.region"() ({
      %run_scoped3A_33 = tpu.sem_alloc : memref<!tpu.dma_semaphore, #tpu.memory_space<semaphore_mem>>
      %dma_start3A_34 = arith.constant 0 : i32
      %dma_start3A_35 = arith.constant 0 : i32
      %dma_start3A_36 = tpu.memref_slice %arg7[%dma_start3A_34, %dma_start3A_35] : memref<160x128xf32, #tpu.memory_space<vmem>> -> memref<80x128xf32, #tpu.memory_space<vmem>>
      %dma_start3A_37 = arith.constant 0 : i32
      %dma_start3A_38 = tpu.memref_slice %arg6[%run_scoped3A, %dma_start3A_37] : memref<125x80xi32, #tpu.memory_space<vmem>> -> memref<1x80xi32, #tpu.memory_space<vmem>>
      %dma_start3A_39 = tpu.memref_squeeze %dma_start3A_38 : memref<1x80xi32, #tpu.memory_space<vmem>> -> memref<80xi32, #tpu.memory_space<vmem>>
      %dma_start3A_40 = arith.constant 0 : i32
      %dma_start3A_41 = arith.constant 0 : i32
      %dma_start3A_42 = tpu.memref_slice %arg8[%dma_start3A_40, %dma_start3A_41] : memref<10240x128xf32, #tpu.memory_space<vmem_shared>> -> memref<10240x128xf32, #tpu.memory_space<vmem_shared>>
      tpu.enqueue_indirect_dma source(%dma_start3A_36 : memref<80x128xf32, #tpu.memory_space<vmem>>) target(%dma_start3A_42 : memref<10240x128xf32, #tpu.memory_space<vmem_shared>>) offsets(%dma_start3A_39 : memref<80xi32, #tpu.memory_space<vmem>>) semaphore(%run_scoped3A_33 : memref<!tpu.dma_semaphore, #tpu.memory_space<semaphore_mem>>) {add = true}
      %dma_wait3A_43 = arith.constant 0 : i32
      %dma_wait3A_44 = arith.constant 0 : i32
      %dma_wait3A_45 = tpu.memref_slice %arg7[%dma_wait3A_43, %dma_wait3A_44] : memref<160x128xf32, #tpu.memory_space<vmem>> -> memref<80x128xf32, #tpu.memory_space<vmem>>
      %dma_wait3A_46 = arith.constant 0 : i32
      %dma_wait3A_47 = tpu.memref_slice %arg6[%run_scoped3A, %dma_wait3A_46] : memref<125x80xi32, #tpu.memory_space<vmem>> -> memref<1x80xi32, #tpu.memory_space<vmem>>
      %dma_wait3A_48 = tpu.memref_squeeze %dma_wait3A_47 : memref<1x80xi32, #tpu.memory_space<vmem>> -> memref<80xi32, #tpu.memory_space<vmem>>
      %dma_wait3A_49 = arith.constant 0 : i32
      %dma_wait3A_50 = arith.constant 0 : i32
      %dma_wait3A_51 = tpu.memref_slice %arg8[%dma_wait3A_49, %dma_wait3A_50] : memref<10240x128xf32, #tpu.memory_space<vmem_shared>> -> memref<10240x128xf32, #tpu.memory_space<vmem_shared>>
      tpu.wait_indirect_dma semaphore(%run_scoped3A_33 : memref<!tpu.dma_semaphore, #tpu.memory_space<semaphore_mem>>) src(%dma_wait3A_45 : memref<80x128xf32, #tpu.memory_space<vmem>>) dst(%dma_wait3A_51 : memref<10240x128xf32, #tpu.memory_space<vmem_shared>>)
      tpu.yield
    }) : () -> ()
    %barrier3A_32 = arith.constant 0 : index
    tpu.barrier barrier_id(%barrier3A_32)
    "tpu.region"() ({
      %run_scoped3A_33 = tpu.sem_alloc : memref<!tpu.dma_semaphore, #tpu.memory_space<semaphore_mem>>
      %dma_start3A_34 = arith.constant 0 : i32
      %dma_start3A_35 = tpu.memref_slice %arg5[%arg0, %mul3A_4, %dma_start3A_34] : memref<2x10240x128xf32, #tpu.memory_space<hbm>> -> memref<1x640x128xf32, #tpu.memory_space<hbm>>
      %dma_start3A_36 = tpu.memref_squeeze %dma_start3A_35 : memref<1x640x128xf32, #tpu.memory_space<hbm>> -> memref<640x128xf32, #tpu.memory_space<hbm>>
      %dma_start3A_37 = arith.constant 0 : i32
      %dma_start3A_38 = tpu.memref_slice %arg8[%mul3A_4, %dma_start3A_37] : memref<10240x128xf32, #tpu.memory_space<vmem_shared>> -> memref<640x128xf32, #tpu.memory_space<vmem_shared>>
      tpu.enqueue_dma source(%dma_start3A_38 : memref<640x128xf32, #tpu.memory_space<vmem_shared>>) target(%dma_start3A_36 : memref<640x128xf32, #tpu.memory_space<hbm>>) target_semaphore(%run_scoped3A_33 : memref<!tpu.dma_semaphore, #tpu.memory_space<semaphore_mem>>)
      %dma_wait3A_39 = arith.constant 0 : i32
      %dma_wait3A_40 = tpu.memref_slice %arg5[%arg0, %mul3A_4, %dma_wait3A_39] : memref<2x10240x128xf32, #tpu.memory_space<hbm>> -> memref<1x640x128xf32, #tpu.memory_space<hbm>>
      %dma_wait3A_41 = tpu.memref_squeeze %dma_wait3A_40 : memref<1x640x128xf32, #tpu.memory_space<hbm>> -> memref<640x128xf32, #tpu.memory_space<hbm>>
      %dma_wait3A_42 = arith.constant 0 : i32
      %dma_wait3A_43 = tpu.memref_slice %arg8[%mul3A_4, %dma_wait3A_42] : memref<10240x128xf32, #tpu.memory_space<vmem_shared>> -> memref<640x128xf32, #tpu.memory_space<vmem_shared>>
      tpu.wait_dma2 semaphore(%run_scoped3A_33 : memref<!tpu.dma_semaphore, #tpu.memory_space<semaphore_mem>>) src(%dma_wait3A_43 : memref<640x128xf32, #tpu.memory_space<vmem_shared>>) dst(%dma_wait3A_41 : memref<640x128xf32, #tpu.memory_space<hbm>>)
      tpu.yield
    }) : () -> ()
    return
  }
}

module attributes {stable_mosaic.version = 14 : i64} {
  func.func @_mlp_body(%arg0: i32, %arg1: memref<2560x128xf32, #tpu.memory_space<vmem>>, %arg2: memref<2560x128xf32, #tpu.memory_space<vmem>>, %arg3: memref<2560x16xf32, #tpu.memory_space<vmem>>, %arg4: memref<128x256xf32, #tpu.memory_space<vmem>>, %arg5: memref<128x256xf32, #tpu.memory_space<vmem>>, %arg6: memref<16x256xf32, #tpu.memory_space<vmem>>, %arg7: memref<1x256xf32, #tpu.memory_space<vmem>>, %arg8: memref<2560x128xf32, #tpu.memory_space<vmem>>) attributes {dimension_semantics = [#tpu.dimension_semantics<arbitrary>], iteration_bounds = array<i64: 125>, scalar_prefetch = 0 : i64, scratch_operands = 0 : i64, tpu.core_type = #tpu.core_type<tc>, window_params = [{transform_indices = @transform_0, window_bounds = array<i64: 2560, 128>}, {transform_indices = @transform_1, window_bounds = array<i64: 2560, 128>}, {transform_indices = @transform_2, window_bounds = array<i64: 2560, 16>}, {pipeline_mode = #tpu.pipeline_mode<synchronous>, transform_indices = @transform_3, window_bounds = array<i64: 128, 256>}, {pipeline_mode = #tpu.pipeline_mode<synchronous>, transform_indices = @transform_4, window_bounds = array<i64: 128, 256>}, {pipeline_mode = #tpu.pipeline_mode<synchronous>, transform_indices = @transform_5, window_bounds = array<i64: 16, 256>}, {pipeline_mode = #tpu.pipeline_mode<synchronous>, transform_indices = @transform_6, window_bounds = array<i64: 1, 256>}, {transform_indices = @transform_7, window_bounds = array<i64: 2560, 128>}]} {
    %get3A = arith.constant 0 : index
    %get3A_0 = arith.constant 0 : index
    %get3A_1 = vector.load %arg1[%get3A, %get3A_0] : memref<2560x128xf32, #tpu.memory_space<vmem>>, vector<2560x128xf32>
    %get3A_2 = arith.constant 0 : index
    %get3A_3 = arith.constant 0 : index
    %get3A_4 = vector.load %arg4[%get3A_2, %get3A_3] : memref<128x256xf32, #tpu.memory_space<vmem>>, vector<128x256xf32>
    %convert_element_type3A = arith.truncf %get3A_1 : vector<2560x128xf32> to vector<2560x128xbf16>
    %convert_element_type3A_5 = arith.truncf %get3A_4 : vector<128x256xf32> to vector<128x256xbf16>
    %dot_general3A = arith.constant dense<0.000000e+00> : vector<2560x256xf32>
    %dot_general3A_6 = tpu.matmul %convert_element_type3A, %convert_element_type3A_5, %dot_general3A {dimension_numbers = #tpu.dot_dimension_numbers<[1], [0], [0], [1], [0, 0, 1, 1], [], []>, transpose_lhs_hint = false} : vector<2560x128xbf16>, vector<128x256xbf16>, vector<2560x256xf32> -> vector<2560x256xf32>
    %get3A_7 = arith.constant 0 : index
    %get3A_8 = arith.constant 0 : index
    %get3A_9 = vector.load %arg2[%get3A_7, %get3A_8] : memref<2560x128xf32, #tpu.memory_space<vmem>>, vector<2560x128xf32>
    %get3A_10 = arith.constant 0 : index
    %get3A_11 = arith.constant 0 : index
    %get3A_12 = vector.load %arg5[%get3A_10, %get3A_11] : memref<128x256xf32, #tpu.memory_space<vmem>>, vector<128x256xf32>
    %convert_element_type3A_13 = arith.truncf %get3A_9 : vector<2560x128xf32> to vector<2560x128xbf16>
    %convert_element_type3A_14 = arith.truncf %get3A_12 : vector<128x256xf32> to vector<128x256xbf16>
    %dot_general3A_15 = arith.constant dense<0.000000e+00> : vector<2560x256xf32>
    %dot_general3A_16 = tpu.matmul %convert_element_type3A_13, %convert_element_type3A_14, %dot_general3A_15 {dimension_numbers = #tpu.dot_dimension_numbers<[1], [0], [0], [1], [0, 0, 1, 1], [], []>, transpose_lhs_hint = false} : vector<2560x128xbf16>, vector<128x256xbf16>, vector<2560x256xf32> -> vector<2560x256xf32>
    %add3A = arith.addf %dot_general3A_6, %dot_general3A_16 : vector<2560x256xf32>
    %get3A_17 = arith.constant 0 : index
    %get3A_18 = arith.constant 0 : index
    %get3A_19 = vector.load %arg3[%get3A_17, %get3A_18] : memref<2560x16xf32, #tpu.memory_space<vmem>>, vector<2560x16xf32>
    %get3A_20 = arith.constant 0 : index
    %get3A_21 = arith.constant 0 : index
    %get3A_22 = vector.load %arg6[%get3A_20, %get3A_21] : memref<16x256xf32, #tpu.memory_space<vmem>>, vector<16x256xf32>
    %convert_element_type3A_23 = arith.truncf %get3A_19 : vector<2560x16xf32> to vector<2560x16xbf16>
    %convert_element_type3A_24 = arith.truncf %get3A_22 : vector<16x256xf32> to vector<16x256xbf16>
    %dot_general3A_25 = arith.constant dense<0.000000e+00> : vector<2560x256xf32>
    %dot_general3A_26 = tpu.matmul %convert_element_type3A_23, %convert_element_type3A_24, %dot_general3A_25 {dimension_numbers = #tpu.dot_dimension_numbers<[1], [0], [0], [1], [0, 0, 1, 1], [], []>, transpose_lhs_hint = false} : vector<2560x16xbf16>, vector<16x256xbf16>, vector<2560x256xf32> -> vector<2560x256xf32>
    %add3A_27 = arith.addf %add3A, %dot_general3A_26 : vector<2560x256xf32>
    %get3A_28 = arith.constant 0 : index
    %get3A_29 = arith.constant 0 : index
    %get3A_30 = vector.load %arg7[%get3A_28, %get3A_29] : memref<1x256xf32, #tpu.memory_space<vmem>>, vector<1x256xf32>
    %add3A_31 = vector.broadcast %get3A_30 : vector<1x256xf32> to vector<2560x256xf32>
    %add3A_32 = arith.addf %add3A_27, %add3A_31 : vector<2560x256xf32>
    %slice3A = vector.extract_strided_slice %add3A_32 {offsets = [0, 0], sizes = [2560, 128], strides = [1, 1]} : vector<2560x256xf32> to vector<2560x128xf32>
    %logistic3A = arith.negf %slice3A : vector<2560x128xf32>
    %logistic3A_33 = math.exp %logistic3A : vector<2560x128xf32>
    %logistic3A_34 = arith.constant 1.000000e+00 : f32
    %logistic3A_35 = vector.broadcast %logistic3A_34 : f32 to vector<2560x128xf32>
    %logistic3A_36 = arith.addf %logistic3A_35, %logistic3A_33 : vector<2560x128xf32>
    %logistic3A_37 = arith.divf %logistic3A_35, %logistic3A_36 : vector<2560x128xf32>
    %slice3A_38 = vector.extract_strided_slice %add3A_32 {offsets = [0, 128], sizes = [2560, 128], strides = [1, 1]} : vector<2560x256xf32> to vector<2560x128xf32>
    %custom_jvp_call3A = arith.constant 0.000000e+00 : f32
    %max3A = vector.broadcast %custom_jvp_call3A : f32 to vector<2560x128xf32>
    %max3A_39 = arith.maximumf %slice3A_38, %max3A : vector<2560x128xf32>
    %sub3A = vector.broadcast %custom_jvp_call3A : f32 to vector<2560x128xf32>
    %sub3A_40 = arith.subf %slice3A_38, %sub3A : vector<2560x128xf32>
    %ne3A = arith.cmpf one, %sub3A_40, %sub3A_40 : vector<2560x128xf32>
    %add3A_41 = vector.broadcast %custom_jvp_call3A : f32 to vector<2560x128xf32>
    %add3A_42 = arith.addf %slice3A_38, %add3A_41 : vector<2560x128xf32>
    %abs3A = math.absf %sub3A_40 : vector<2560x128xf32>
    %neg3A = arith.constant 0.000000e+00 : f32
    %neg3A_43 = vector.broadcast %neg3A : f32 to vector<2560x128xf32>
    %neg3A_44 = arith.subf %neg3A_43, %abs3A : vector<2560x128xf32>
    %exp3A = math.exp %neg3A_44 : vector<2560x128xf32>
    %log1p3A = math.log1p %exp3A : vector<2560x128xf32>
    %add3A_45 = arith.addf %max3A_39, %log1p3A : vector<2560x128xf32>
    %select_n3A = arith.select %ne3A, %add3A_42, %add3A_45 : vector<2560x128xi1>, vector<2560x128xf32>
    %mul3A = arith.mulf %logistic3A_37, %select_n3A : vector<2560x128xf32>
    %swap3A = arith.constant 0 : index
    %swap3A_46 = arith.constant 0 : index
    %swap3A_47 = vector.load %arg8[%swap3A, %swap3A_46] : memref<2560x128xf32, #tpu.memory_space<vmem>>, vector<2560x128xf32>
    tpu.vector_store %arg8[%swap3A, %swap3A_46], %mul3A {strides = array<i32>} : memref<2560x128xf32, #tpu.memory_space<vmem>>, vector<2560x128xf32>,
    return
  }
  func.func @transform_0(%arg0: i32) -> (i32, i32) {
    %c0_i32 = arith.constant 0 : i32
    %c0_i32_0 = arith.constant 0 : i32
    return %arg0, %c0_i32 : i32, i32
  }
  func.func @transform_1(%arg0: i32) -> (i32, i32) {
    %c0_i32 = arith.constant 0 : i32
    %c0_i32_0 = arith.constant 0 : i32
    return %arg0, %c0_i32 : i32, i32
  }
  func.func @transform_2(%arg0: i32) -> (i32, i32) {
    %c0_i32 = arith.constant 0 : i32
    %c0_i32_0 = arith.constant 0 : i32
    return %arg0, %c0_i32 : i32, i32
  }
  func.func @transform_3(%arg0: i32) -> (i32, i32) {
    %c0_i32 = arith.constant 0 : i32
    %c0_i32_0 = arith.constant 0 : i32
    %c0_i32_1 = arith.constant 0 : i32
    return %c0_i32, %c0_i32_0 : i32, i32
  }
  func.func @transform_4(%arg0: i32) -> (i32, i32) {
    %c0_i32 = arith.constant 0 : i32
    %c0_i32_0 = arith.constant 0 : i32
    %c0_i32_1 = arith.constant 0 : i32
    return %c0_i32, %c0_i32_0 : i32, i32
  }
  func.func @transform_5(%arg0: i32) -> (i32, i32) {
    %c0_i32 = arith.constant 0 : i32
    %c0_i32_0 = arith.constant 0 : i32
    %c0_i32_1 = arith.constant 0 : i32
    return %c0_i32, %c0_i32_0 : i32, i32
  }
  func.func @transform_6(%arg0: i32) -> (i32, i32) {
    %c0_i32 = arith.constant 0 : i32
    %c0_i32_0 = arith.constant 0 : i32
    %c0_i32_1 = arith.constant 0 : i32
    return %c0_i32, %c0_i32_0 : i32, i32
  }
  func.func @transform_7(%arg0: i32) -> (i32, i32) {
    %c0_i32 = arith.constant 0 : i32
    %c0_i32_0 = arith.constant 0 : i32
    return %arg0, %c0_i32 : i32, i32
  }
}

module attributes {stable_mosaic.version = 14 : i64} {
  func.func @_pool_body(%arg0: i32, %arg1: memref<2x2048x128xf32, #tpu.memory_space<vmem>>, %arg2: memref<2048x128xf32, #tpu.memory_space<vmem>>, %arg3: memref<1x1x2048xi32, #tpu.memory_space<vmem>>, %arg4: memref<128x128xf32, #tpu.memory_space<vmem>>, %arg5: memref<128x128xf32, #tpu.memory_space<vmem>>) attributes {dimension_semantics = [#tpu.dimension_semantics<arbitrary>], iteration_bounds = array<i64: 5>, scalar_prefetch = 0 : i64, scratch_operands = 1 : i64, tpu.core_type = #tpu.core_type<tc>, window_params = [{transform_indices = @transform_0, window_bounds = array<i64: 2, 2048, 128>}, {transform_indices = @transform_1, window_bounds = array<i64: 2048, 128>}, {transform_indices = @transform_2, window_bounds = array<i64: 1, 1, 2048>}, {pipeline_mode = #tpu.pipeline_mode<synchronous>, transform_indices = @transform_3, window_bounds = array<i64: 128, 128>}]} {
    %eq3A = arith.constant 0 : i32
    %eq3A_0 = arith.cmpi eq, %arg0, %eq3A : i32
    %convert_element_type3A = arith.extui %eq3A_0 : i1 to i32
    %cond3A = arith.constant 0 : i32
    %cond3A_1 = arith.cmpi ne, %convert_element_type3A, %cond3A : i32
    scf.if %cond3A_1 {
      %broadcast_in_dim3A = arith.constant 0.000000e+00 : f32
      %broadcast_in_dim3A_36 = vector.broadcast %broadcast_in_dim3A : f32 to vector<128x128xf32>
      %swap3A_37 = arith.constant 0 : index
      %swap3A_38 = arith.constant 0 : index
      %swap3A_39 = vector.load %arg5[%swap3A_37, %swap3A_38] : memref<128x128xf32, #tpu.memory_space<vmem>>, vector<128x128xf32>
      tpu.vector_store %arg5[%swap3A_37, %swap3A_38], %broadcast_in_dim3A_36 {strides = array<i32>} : memref<128x128xf32, #tpu.memory_space<vmem>>, vector<128x128xf32>,
    } else {
    }
    %get3A = arith.constant 0 : index
    %get3A_2 = arith.constant 0 : index
    %get3A_3 = vector.load %arg2[%get3A, %get3A_2] : memref<2048x128xf32, #tpu.memory_space<vmem>>, vector<2048x128xf32>
    %get3A_4 = arith.constant 0 : index
    %get3A_5 = arith.constant 0 : index
    %get3A_6 = arith.constant 0 : index
    %get3A_7 = vector.load %arg1[%get3A_4, %get3A_5, %get3A_6] : memref<2x2048x128xf32, #tpu.memory_space<vmem>>, vector<1x2048x128xf32>
    %get3A_8 = vector.shape_cast %get3A_7 : vector<1x2048x128xf32> to vector<2048x128xf32>
    %add3A = arith.addf %get3A_3, %get3A_8 : vector<2048x128xf32>
    %get3A_9 = arith.constant 1 : index
    %get3A_10 = arith.constant 0 : index
    %get3A_11 = arith.constant 0 : index
    %get3A_12 = vector.load %arg1[%get3A_9, %get3A_10, %get3A_11] : memref<2x2048x128xf32, #tpu.memory_space<vmem>>, vector<1x2048x128xf32>
    %get3A_13 = vector.shape_cast %get3A_12 : vector<1x2048x128xf32> to vector<2048x128xf32>
    %add3A_14 = arith.addf %add3A, %get3A_13 : vector<2048x128xf32>
    %iota3A = tpu.iota {dimensions = array<i32: 0>} : vector<128x2048xi32>
    %get3A_15 = arith.constant 0 : index
    %get3A_16 = arith.constant 0 : index
    %get3A_17 = arith.constant 0 : index
    %get3A_18 = vector.load %arg3[%get3A_15, %get3A_16, %get3A_17] : memref<1x1x2048xi32, #tpu.memory_space<vmem>>, vector<1x1x2048xi32>
    %get3A_19 = vector.shape_cast %get3A_18 : vector<1x1x2048xi32> to vector<1x2048xi32>
    %eq3A_20 = vector.broadcast %get3A_19 : vector<1x2048xi32> to vector<128x2048xi32>
    %eq3A_21 = arith.cmpi eq, %iota3A, %eq3A_20 : vector<128x2048xi32>
    %convert_element_type3A_22 = arith.extui %eq3A_21 : vector<128x2048xi1> to vector<128x2048xi32>
    %convert_element_type3A_23 = arith.sitofp %convert_element_type3A_22 : vector<128x2048xi32> to vector<128x2048xf32>
    %get3A_24 = arith.constant 0 : index
    %get3A_25 = arith.constant 0 : index
    %get3A_26 = vector.load %arg5[%get3A_24, %get3A_25] : memref<128x128xf32, #tpu.memory_space<vmem>>, vector<128x128xf32>
    %dot_general3A = arith.constant dense<0.000000e+00> : vector<128x128xf32>
    %dot_general3A_27 = tpu.matmul %convert_element_type3A_23, %add3A_14, %dot_general3A {dimension_numbers = #tpu.dot_dimension_numbers<[1], [0], [0], [1], [0, 0, 1, 1], [], []>, precision = #tpu.contract_precision<fp32>, transpose_lhs_hint = false} : vector<128x2048xf32>, vector<2048x128xf32>, vector<128x128xf32> -> vector<128x128xf32>
    %add3A_28 = arith.addf %get3A_26, %dot_general3A_27 : vector<128x128xf32>
    %swap3A = arith.constant 0 : index
    %swap3A_29 = arith.constant 0 : index
    %swap3A_30 = vector.load %arg5[%swap3A, %swap3A_29] : memref<128x128xf32, #tpu.memory_space<vmem>>, vector<128x128xf32>
    tpu.vector_store %arg5[%swap3A, %swap3A_29], %add3A_28 {strides = array<i32>} : memref<128x128xf32, #tpu.memory_space<vmem>>, vector<128x128xf32>,
    %eq3A_31 = arith.constant 4 : i32
    %eq3A_32 = arith.cmpi eq, %arg0, %eq3A_31 : i32
    %convert_element_type3A_33 = arith.extui %eq3A_32 : i1 to i32
    %cond3A_34 = arith.constant 0 : i32
    %cond3A_35 = arith.cmpi ne, %convert_element_type3A_33, %cond3A_34 : i32
    scf.if %cond3A_35 {
      %get3A_36 = arith.constant 0 : index
      %get3A_37 = arith.constant 0 : index
      %get3A_38 = vector.load %arg5[%get3A_36, %get3A_37] : memref<128x128xf32, #tpu.memory_space<vmem>>, vector<128x128xf32>
      %swap3A_39 = arith.constant 0 : index
      %swap3A_40 = arith.constant 0 : index
      %swap3A_41 = vector.load %arg4[%swap3A_39, %swap3A_40] : memref<128x128xf32, #tpu.memory_space<vmem>>, vector<128x128xf32>
      tpu.vector_store %arg4[%swap3A_39, %swap3A_40], %get3A_38 {strides = array<i32>} : memref<128x128xf32, #tpu.memory_space<vmem>>, vector<128x128xf32>,
    } else {
    }
    return
  }
  func.func @transform_0(%arg0: i32) -> (i32, i32, i32) {
    %c0_i32 = arith.constant 0 : i32
    %c0_i32_0 = arith.constant 0 : i32
    %c0_i32_1 = arith.constant 0 : i32
    return %c0_i32, %arg0, %c0_i32_0 : i32, i32, i32
  }
  func.func @transform_1(%arg0: i32) -> (i32, i32) {
    %c0_i32 = arith.constant 0 : i32
    %c0_i32_0 = arith.constant 0 : i32
    return %arg0, %c0_i32 : i32, i32
  }
  func.func @transform_2(%arg0: i32) -> (i32, i32, i32) {
    %c0_i32 = arith.constant 0 : i32
    %c0_i32_0 = arith.constant 0 : i32
    %c0_i32_1 = arith.constant 0 : i32
    return %arg0, %c0_i32, %c0_i32_0 : i32, i32, i32
  }
  func.func @transform_3(%arg0: i32) -> (i32, i32) {
    %c0_i32 = arith.constant 0 : i32
    %c0_i32_0 = arith.constant 0 : i32
    %c0_i32_1 = arith.constant 0 : i32
    return %c0_i32, %c0_i32_0 : i32, i32
  }
}

</mosaic_0001>

<sc_bundles>
// kernel: kernel.6.cloned.1.call-start
scs
__scs_entry_jumppad:
0x0: {  	(pc) =	sbr.rel $0x88, $3  }
0x1: {  	(tag) =	ssettag $0x0;
	lr =	simm.s32 $0x1  }
0x2: {  	[smem:$0x3F97] =	sst lr;
	_ =	strace $0xD0000000  }
0x3: {  	_ = 	snop  }
0x4: {  	_ = 	snop  }
0x5: {  	_ = 	snop  }
0x6: {  	_ = 	snop  }
0x7: {  	_ = 	snop  }
__scs_overlays_trampoline_lowered:
0x8: {  	[smem:$0x3FA6] =	sst s0  }
0x9: {  	[smem:$0x3FA7] =	sst s1  }
0xa: {  	[smem:$0x3FA8] =	sst s2  }
0xb: {  	[smem:$0x3FA9] =	sst s3  }
0xc: {  	[smem:$0x3FAA] =	sst s4  }
0xd: {  	[smem:$0x3FAB] =	sst s5  }
0xe: {  	[smem:$0x3FAC] =	sst s6  }
0xf: {  	[smem:$0x3FAD] =	sst s7  }
0x10: {  	[smem:$0x3FAE] =	sst s8  }
0x11: {  	[smem:$0x3FAF] =	sst s9;
	s0 =	simm.s32 @!p0 $0x0  }
0x12: {  	s1 =	sld [smem:$0x3F95];
	s0 =	simm.s32 @p0 $0x1  }
0x13: {  	[smem:$0x3FB0] =	sst s0;
	s0 =	simm.s32 @!p1 $0x0  }
0x14: {  	s2 =	sld [smem:$0x3F94];
	s0 =	simm.s32 @p1 $0x1  }
0x15: {  	[smem:$0x3FB1] =	sst s0;
	s0 =	simm.s32 @!p2 $0x0  }
0x16: {  	s3 =	sld [smem:$0x3FDB];
	s0 =	simm.s32 @p2 $0x1  }
0x17: {  	s4 =	simm.s32 $0x1BF5;
	[smem:$0x3FB3] =	sst s0  }
0x18: {  	s0 =	sld [smem:$0x3F96];
	_ =	swait.ge [sflag:s4], $0x0  }
0x19: {  	s7 =	sld [smem:$0x3F97]  }
0x1a: {  	s8 =	sadd.s32 $0xFFFFE003, lr  }
0x1b: {  	s9 =	sadd.s32 $0xFFFFFEF7, lr;
	s5 =	simm.s32 $0xFFFFFFFF;
	p2 =	slt.u32 s8, $0xFFFFF086  }
0x1c: {  	p1 =	slt.u32 s9, $0xF7A;
	s5 =	simm.s32 @!p2 $0x0  }
0x1d: {  	s5 =	simm.s32 @p1 $0x1;
	p0 =	seq.s32 s7, s2  }
0x1e: {  	s7 =	smul.u32 @!p0 $0xF7A, s2;
	p2 =	seq.s32 @!p0 s5, $0x0  }
0x1f: {  	s9 =	smul.u32 $0xF7A, s1;
	s8 =	simm.s32 @!p0 $0x1BF5;
	p2 =	por !p2, p0  }
0x20: {  	[sflag:s8] =	ssyncset.s32 @!p0 $0xFFFFF086;
	s6 =	sadd.s32 @!p0 s3, s7;
	s7 =	simm.s32 @!p0 $0x108  }
0x21: {  	s3 =	sadd.s32 s3, s9;
	s6 =	sadd.s32 @!p0 $0x88, s6;
	s7 =	simm.s32 @p2 $0x1082  }
0x22: {  	[simem:s7], [sflag:s8] =	dma.local @!p0 [hbm:s6], $0xF7A  }
0x23: {  	s9 =	sor.u32 $0xD0000000, s2;
	s6 =	simm.s32 $0x108;
	_ =	swait.ge @!p0 [sflag:s8], $0x0  }
0x24: {  	s3 =	sadd.s32 $0x88, s3;
	s6 =	simm.s32 @!p1 $0x1082;
	[sflag:s4] =	ssyncset.s32 $0xFFFFF086  }
0x25: {  	[simem:s6], [sflag:s4] =	dma.local [hbm:s3], $0xF7A  }
0x26: {  	[smem:$0x3F97] =	sst s1;
	(tag) =	ssettag s2;
	_ =	strace s9  }
0x27: {  	s1 =	sld [smem:$0x3FA7]  }
0x28: {  	s2 =	sld [smem:$0x3FA8]  }
0x29: {  	s4 =	sld [smem:$0x3FAA]  }
0x2a: {  	p0 =	seq.s32 s5, $0x0;
	s5 =	sld [smem:$0x3FAB]  }
0x2b: {  	s6 =	sld [smem:$0x3FAC]  }
0x2c: {  	s7 =	sld [smem:$0x3FAD]  }
0x2d: {  	s3 =	simm.s32 $0x108;
	s8 =	sld [smem:$0x3FAE]  }
0x2e: {  	s3 =	simm.s32 @!p0 $0x1082;
	s9 =	sld [smem:$0x3FAF]  }
0x2f: {  	lr =	sadd.s32 s0, s3;
	s0 =	sld [smem:$0x3FA6]  }
0x30: {  	s3 =	sld [smem:$0x3FA9]  }
0x31: {  	[smem:$0x3FB2] =	sst s10  }
0x32: {  	s10 =	sld [smem:$0x3FB0];
	_ =	sdelay $0x3  }
0x33: {  	p0 =	seq.s32 s10, $0x1;
	s10 =	sld [smem:$0x3FB2];
	_ =	sdelay $0x3  }
0x34: {  	[smem:$0x3FB2] =	sst s10  }
0x35: {  	s10 =	sld [smem:$0x3FB1];
	_ =	sdelay $0x3  }
0x36: {  	p1 =	seq.s32 s10, $0x1;
	s10 =	sld [smem:$0x3FB2];
	_ =	sdelay $0x3  }
0x37: {  	[smem:$0x3FB2] =	sst s10  }
0x38: {  	s10 =	sld [smem:$0x3FB3]  }
0x39: {  	_ = 	snop;
	(pc) =	sbr.ind lr, $3  }
0x3a: {  	_ = 	snop  }
0x3b: {  	_ = 	snop  }
0x3c: {  	p2 =	seq.s32 s10, $0x1;
	s10 =	sld [smem:$0x3FB2]  }
0x3d: {  	_ =	shalt  }
0x3e: {  	_ =	shalt  }
0x3f: {  	_ =	shalt  }
0x40: {  	_ =	shalt  }
0x41: {  	_ =	shalt  }
0x42: {  	_ =	shalt  }
0x43: {  	_ =	shalt  }
0x44: {  	_ =	shalt  }
0x45: {  	_ =	shalt  }
0x46: {  	_ =	shalt  }
0x47: {  	_ =	shalt  }
0x48: {  	_ =	shalt  }
0x49: {  	_ =	shalt  }
0x4a: {  	_ =	shalt  }
0x4b: {  	_ =	shalt  }
0x4c: {  	_ =	shalt  }
0x4d: {  	_ =	shalt  }
0x4e: {  	_ =	shalt  }
0x4f: {  	_ =	shalt  }
0x50: {  	_ =	shalt  }
0x51: {  	_ =	shalt  }
0x52: {  	_ =	shalt  }
0x53: {  	_ =	shalt  }
0x54: {  	_ =	shalt  }
0x55: {  	_ =	shalt  }
0x56: {  	_ =	shalt  }
0x57: {  	_ =	shalt  }
0x58: {  	_ =	shalt  }
0x59: {  	_ =	shalt  }
0x5a: {  	_ =	shalt  }
0x5b: {  	_ =	shalt  }
0x5c: {  	_ =	shalt  }
0x5d: {  	_ =	shalt  }
0x5e: {  	_ =	shalt  }
0x5f: {  	_ =	shalt  }
0x60: {  	_ =	shalt  }
0x61: {  	_ =	shalt  }
0x62: {  	_ =	shalt  }
0x63: {  	_ =	shalt  }
0x64: {  	_ =	shalt  }
0x65: {  	_ =	shalt  }
0x66: {  	_ =	shalt  }
0x67: {  	_ =	shalt  }
0x68: {  	_ =	shalt  }
0x69: {  	_ =	shalt  }
0x6a: {  	_ =	shalt  }
0x6b: {  	_ =	shalt  }
0x6c: {  	_ =	shalt  }
0x6d: {  	_ =	shalt  }
0x6e: {  	_ =	shalt  }
0x6f: {  	_ =	shalt  }
0x70: {  	_ =	shalt  }
0x71: {  	_ =	shalt  }
0x72: {  	_ =	shalt  }
0x73: {  	_ =	shalt  }
0x74: {  	_ =	shalt  }
0x75: {  	_ =	shalt  }
0x76: {  	_ =	shalt  }
0x77: {  	_ =	shalt  }
0x78: {  	_ =	shalt  }
0x79: {  	_ =	shalt  }
0x7a: {  	_ =	shalt  }
0x7b: {  	_ =	shalt  }
0x7c: {  	_ =	shalt  }
0x7d: {  	_ =	shalt  }
0x7e: {  	_ =	shalt  }
0x7f: {  	_ =	shalt  }
0x80: {  	_ =	shalt  }
0x81: {  	_ =	shalt  }
0x82: {  	_ =	shalt  }
0x83: {  	_ =	shalt  }
0x84: {  	_ =	shalt  }
0x85: {  	_ =	shalt  }
0x86: {  	_ =	shalt  }
0x87: {  	_ =	shalt  }
.Lfunc_end0:
.L_simem_size_0:
called_computation_lowered:
.L_overlay_start_0:
0x88: {  	s2 =	sld [smem:$0x3FD9]  }
0x89: {  	s3 =	sld [smem:$0x3FFE];
	_ =	sdelay $0x1  }
0x8a: {  	s1 =	srdreg.scid  }
0x8b: {  	s0 =	sand.u32 $0x1, s1  }
0x8c: {  	s17 =	sshll.u32 s0, $0xA;
	s2 =	sadd.s32 s3, s2  }
0x8d: {  	s2 =	sadd.s32 s2, s17  }
0x8e: {  	[smem:$0x3FBE] =	sst s2  }
0x8f: {  	_ = 	snop  }
0x90: {  	s2 =	sld [smem:$0x3FC9];
	(tm) =	ssettm $0x1  }
0x91: {  	s18 =	sld [smem:$0x3FFB];
	_ =	sdelay $0x3  }
0x92: {  	_ =	strace s18  }
0x93: {  	s3 =	sld [smem:$0x3FFC];
	_ =	sdelay $0x3  }
0x94: {  	_ =	strace s3  }
0x95: {  	s3 =	sld [smem:$0x3FFD];
	_ =	sdelay $0x3  }
0x96: {  	_ =	strace s3  }
0x97: {  	_ =	strace $0x8FFFFFFF  }
0x98: {  	s19 =	sld [smem:$0x3FDB];
	_ =	sdelay $0x1  }
0x99: {  	s4 =	simm.s32 $_scs_section_size  }
0x9a: {  	s5 =	simm.s32 $_size__tile_overlayer_lowered;
	s6 =	simm.s32 $_tile_overlayer_lowered  }
0x9b: {  	s22 =	simm.s32 $0x1BFF;
	s21 =	sshll.u32 s6, $0x1;
	s3 =	sadd.s32 s4, s19  }
0x9c: {  	s7 =	simm.s32 $0x0;
	s20 =	sshll.u32 s5, $0x1;
	s5 =	sadd.s32 s21, s3  }
0x9d: {  	[timem:s7], [sflag:s22] =	dma.local [hbm:s5], s20  }
0x9e: {  	_ =	swait.ge [sflag:s22], s20  }
0x9f: {  	s4 =	ssub.s32 $0x0, s20;
	[sflag:s22] =	ssyncset.done $0x0  }
0xa0: {  	[sflag:s22] =	ssyncadd.s32 s4;
	_ =	sdelay $0x1  }
0xa1: {  	s23 =	simm.s32 $0x1B8B  }
0xa2: {  	_ =	swait.ge [sflag:s23], $0x1  }
0xa3: {  	[sflag:s23] =	ssyncset.done $0x0  }
0xa4: {  	s25 =	simm.s32 $0x1B8E;
	s24 =	sld [smem:$0x3FFE];
	[sflag:s23] =	ssyncadd.s32 $0xFFFFFFFF  }
0xa5: {  	s26 =	simm.s32 $execute0_lowered;
	[smem:$0x3FD2] =	sst s25  }
0xa6: {  	s5 =	sshll.u32 s26, $0x1;
	_ =	strace $0x80000046;
	[dreg:$0x1] =	wrdreg $0xFFFFFFFF  }
0xa7: {  	s28 =	simm.s32 $_size_execute0_lowered;
	s3 =	sadd.s32 s3, s5;
	[dreg:$0x0] =	wrdreg $0x0  }
0xa8: {  	s5 =	sshll.u32 s28, $0x1;
	[dreg:$0x2] =	wrdreg s3  }
0xa9: {  	[dreg:$0x3] =	wrdreg s5  }
0xaa: {  	[dreg:$0x4] =	wrdreg $0xC0  }
0xab: {  	_ =	task [dreg:s7], $0x5FFFF  }
0xac: {  	[dreg:$0x1] =	wrdreg $0xFFFFFFFF  }
0xad: {  	[dreg:$0x0] =	wrdreg $0x60  }
0xae: {  	[dreg:$0x2] =	wrdreg s2  }
0xaf: {  	[dreg:$0x3] =	wrdreg s24  }
0xb0: {  	[dreg:$0x4] =	wrdreg $0x9  }
0xb1: {  	_ =	task.clear_ibuf [dreg:s7], $0x5FFFF;
	_ =	strace $0x90000046  }
0xb2: {  	s29 =	simm.s32 $0x9;
	_ =	strace $0x80000048  }
0xb3: {  	_ =	swait.ge [sflag:s29], $0x1  }
0xb4: {  	[sflag:s29] =	ssyncadd.s32 $0xFFFFFFFF  }
0xb5: {  	_ =	strace $0x90000048  }
0xb6: {  	_ =	sfence  }
0xb7: {  	s30 =	sld [smem:$0x0];
	_ =	sdelay $0x2  }
0xb8: {  	s31 =	sshll.u32 s1, $0xD;
	s1 =	sshrl.u32 s1, $0x2  }
0xb9: {  	s3 =	sand.u32 $0x4000, s31;
	s1 =	sadd.s32 s1, s30  }
0xba: {  	s0 =	sor.u32 s3, s0;
	s1 =	sshll.u32 s1, $0x11  }
0xbb: {  	s0 =	sor.u32 s1, s0  }
0xbc: {  	s0 =	sadd.s32 $0x8F2B, s0  }
0xbd: {  	[sflag:s0] =	ssyncadd.remote.s32 $0x1  }
0xbe: {  	_ =	sfence.sel $0xFFFF  }
0xbf: {  	[dreg:$0x0] =	wrdreg $0xFFFFFFFF;
	(pc) =	sbr.abs _section_cstart, $3  }
0xc0: {  	[dreg:$0x1] =	wrdreg $0xFFFFFFFF  }
0xc1: {  	_ =	task.clear_ibuf [dreg:s7], $0x2FFFF;
	_ =	strace $0x9FFFFFFF  }
0xc2: {  	(tm) =	ssettm $0x7FFFFFFF  }
0xc3: {  	_ =	shalt  }
tec
execute0_lowered:
.L_overlay_start_1:
0x0: {  	(tag) =	ssettag $0x1  }
0x1: {  	s1 =	srdreg.scid;
	s2 =	rddreg [dreg:$0x0]  }
0x2: {  	s0 =	stileid.u32;
	s4 =	rddreg [dreg:$0x1]  }
0x3: {  	s3 =	simm.s32 $0x0;
	s14 =	simm.s32 $0x9F00;
	s15 =	simm.s32 $0x1  }
0x4: {  	s16 =	simm.s32 $0x2;
	s8 =	sand.u32 $0x1, s1;
	s1 =	rddreg [dreg:$0x2]  }
0x5: {  	s17 =	simm.s32 $0x0;
	s29 =	sshll.u32 s0, $0x1;
	[smem:$0x7FF] =	sst s3  }
0x6: {  	s9 =	sadd.s32 $0x15C00, s4;
	s12 =	smul.u32 $0x4E200, s0;
	s5 =	sor.u32 s8, s29  }
0x7: {  	s10 =	sadd.s32 $0x4F7C00, s4;
	s7 =	ssub.s32 $0x2, s8;
	s6 =	smul.u32 $0x2710, s5  }
0x8: {  	_ =	strace $0x80000047;
	s5 =	smul.u32 $0x138800, s5;
	s30 =	sshrl.u32 s7, $0x1  }
0x9: {  	s13 =	smul.u32 $0x27100, s8;
	s11 =	ssub.s32 s7, s30;
	s6 =	sshrl.u32 s6, $0x3  }
0xa: {  	s31 =	sshrl.u32 s5, $0x3;
	s8 =	smax.u32 s11, $0x1;
	s6 =	sadd.s32 s6, s4  }
0xb: {  	s11 =	simm.s32 $0x5;
	s7 =	sadd.s32 $0x26C00, s31;
	s4 =	sadd.s32 $0x2000, s6  }
0xc: {  	s5 =	sadd.s32 $0xBE00, s6;
	s6 =	sadd.s32 s9, s7;
	s7 =	sadd.s32 s10, s7  }
0xd: {  	s9 =	sadd.s32 s12, s9;
	s10 =	sadd.s32 s12, s10;
	s12 =	simm.s32 $0x2780  }
0xe: {  	s9 =	sadd.s32 s13, s9;
	s10 =	sadd.s32 s13, s10;
	s13 =	simm.s32 $0x4F00  }
.LBB2_1:
0xf: {  	[tilespmem:s3], [sflag:$0x5] =	stream.linear.gather [hbm4b:s4+s3], $0x2710, $0x38;
	[tilespmem:$0xEF00] =	vst v63  }
0x10: {  	_ =	swait.ge [sflag:s11], $0x2710  }
0x11: {  	[sflag:s11] =	ssyncset.done $0x0  }
0x12: {  	[sflag:s11] =	ssyncadd.s32 $0xFFFFD8F0  }
0x13: {  	[tilespmem:s12], [sflag:$0x5] =	stream.linear.gather [hbm4b:s5+s3], $0x2710, $0x38;
	[tilespmem:$0xEF00] =	vst v63  }
0x14: {  	_ =	swait.ge [sflag:s11], $0x2710  }
0x15: {  	[sflag:s11] =	ssyncset.done $0x0  }
0x16: {  	s18 =	simm.s32 $0x50;
	s19 =	sand.u32 $0x1, s15;
	[sflag:s11] =	ssyncadd.s32 $0xFFFFD8F0  }
0x17: {  	[tilespmem:s13], [sflag:$0x1] =	stream.indirect.gather [hbm4b:s2+s18], $0x80, s3, s18, $0xb8;
	[tilespmem:$0xEF00] =	vst v63  }
0x18: {  	p0 =	seq.s32 s19, $0x0  }
0x19: {  	[tilespmem:s14], [sflag:$0x2] =	stream.indirect.gather [hbm4b:s2+s18], $0x80, s12, s18, $0xb8;
	[tilespmem:$0xEF00] =	vst v63  }
0x1a: {  	s19 =	simm.s32 @p0 $0x50;
	s20 =	simm.s32 @p0 $0x4F00  }
0x1b: {  	[tilespmem:s20], [sflag:$0x1] =	stream.indirect.gather @p0 [hbm4b:s2+s19], $0x80, s18, s19, $0xb8;
	[tilespmem:$0xEF00] =	vst v63  }
0x1c: {  	s21 =	simm.s32 @p0 $0x9F00;
	s22 =	simm.s32 @p0 $0x3;
	s20 =	simm.s32 $0x27D0  }
0x1d: {  	[tilespmem:s21], [sflag:$0x2] =	stream.indirect.gather @p0 [hbm4b:s2+s19], $0x80, s20, s19, $0xb8;
	[tilespmem:$0xEF00] =	vst v63  }
0x1e: {  	_ =	swait.ge @p0 [sflag:s22], $0x2800  }
0x1f: {  	[sflag:s22] =	ssyncset.done @p0 $0x0  }
0x20: {  	s19 =	simm.s32 @p0 $0x4;
	[sflag:s22] =	ssyncadd.s32 @p0 $0xFFFFD800  }
0x21: {  	_ =	swait.ge @p0 [sflag:s19], $0x2800  }
0x22: {  	s21 =	simm.s32 @p0 $0x6;
	[sflag:s19] =	ssyncset.done @p0 $0x0  }
0x23: {  	s22 =	simm.s32 @p0 $0x7700;
	[sflag:s19] =	ssyncadd.s32 @p0 $0xFFFFD800;
	s19 =	simm.s32 @p0 $0x0  }
0x24: {  	[hbm4b:s9+s19] =	stream.linear.scatter @p0 [tilespmem:s22], [sflag:$0x6], $0x2800, $0x38;
	[tilespmem:$0xEF00] =	vst v63  }
0x25: {  	_ =	swait.ge @p0 [sflag:s21], $0x2800  }
0x26: {  	[sflag:s21] =	ssyncset.done @p0 $0x0  }
0x27: {  	[sflag:s21] =	ssyncadd.s32 @p0 $0xFFFFD800;
	s21 =	simm.s32 @p0 $0xC700  }
0x28: {  	[hbm4b:s10+s19] =	stream.linear.scatter @p0 [tilespmem:s21], [sflag:$0x5], $0x2800, $0x38;
	[tilespmem:$0xEF00] =	vst v63  }
0x29: {  	s19 =	simm.s32 @!p0 $0x50;
	s21 =	simm.s32 @!p0 $0x7700  }
0x2a: {  	[tilespmem:s21], [sflag:$0x3] =	stream.indirect.gather @!p0 [hbm4b:s2+s19], $0x80, s18, s19, $0xb8;
	[tilespmem:$0xEF00] =	vst v63  }
0x2b: {  	s18 =	simm.s32 @!p0 $0xC700;
	s21 =	simm.s32 @!p0 $0x1  }
0x2c: {  	[tilespmem:s18], [sflag:$0x4] =	stream.indirect.gather @!p0 [hbm4b:s2+s19], $0x80, s20, s19, $0xb8;
	[tilespmem:$0xEF00] =	vst v63  }
0x2d: {  	_ =	swait.ge @!p0 [sflag:s21], $0x2800  }
0x2e: {  	[sflag:s21] =	ssyncset.done @!p0 $0x0  }
0x2f: {  	s18 =	simm.s32 @!p0 $0x2;
	[sflag:s21] =	ssyncadd.s32 @!p0 $0xFFFFD800  }
0x30: {  	_ =	swait.ge @!p0 [sflag:s18], $0x2800  }
0x31: {  	s24 =	simm.s32 @!p0 $0x6;
	[sflag:s18] =	ssyncset.done @!p0 $0x0  }
0x32: {  	s19 =	simm.s32 @!p0 $0x4F00;
	[sflag:s18] =	ssyncadd.s32 @!p0 $0xFFFFD800;
	s18 =	simm.s32 @!p0 $0x0  }
0x33: {  	[hbm4b:s9+s18] =	stream.linear.scatter @!p0 [tilespmem:s19], [sflag:$0x6], $0x2800, $0x38;
	[tilespmem:$0xEF00] =	vst v63  }
0x34: {  	s31 =	simm.s32 $0x2;
	s23 =	simm.s32 @!p0 $0x9F00;
	_ =	swait.ge @!p0 [sflag:s24], $0x2800  }
0x35: {  	s22 =	simm.s32 $0x3;
	s20 =	simm.s32 $0x2820;
	[sflag:s24] =	ssyncset.done @!p0 $0x0  }
0x36: {  	s21 =	simm.s32 $0xA0;
	[sflag:s24] =	ssyncadd.s32 @!p0 $0xFFFFD800;
	s24 =	simm.s32 @p0 $0x5  }
0x37: {  	[hbm4b:s10+s18] =	stream.linear.scatter @!p0 [tilespmem:s23], [sflag:$0x6], $0x2800, $0x38;
	[tilespmem:$0xEF00] =	vst v63  }
0x38: {  	s19 =	sand.u32 $0x1, s31;
	s18 =	sadd.s32 $0x500, s10;
	_ =	swait.ge [sflag:s24], $0x2800  }
0x39: {  	p0 =	seq.s32 s19, $0x0;
	s19 =	sadd.s32 $0x500, s9;
	[sflag:s24] =	ssyncset.done $0x0  }
.LBB2_2:
0x3a: {  	s25 =	simm.s32 @p0 $0x50  }
0x3b: {  	s26 =	simm.s32 @p0 $0x4F00;
	[sflag:s24] =	ssyncadd.s32 $0xFFFFD800;
	s23 =	smov.u32 s22  }
0x3c: {  	[tilespmem:s26], [sflag:$0x1] =	stream.indirect.gather @p0 [hbm4b:s2+s25], $0x80, s21, s25, $0xb8;
	[tilespmem:$0xEF00] =	vst v63  }
0x3d: {  	s22 =	sadd.s32 $0x1, s22;
	s24 =	simm.s32 @p0 $0x9F00;
	s26 =	simm.s32 @p0 $0x3  }
0x3e: {  	[tilespmem:s24], [sflag:$0x2] =	stream.indirect.gather @p0 [hbm4b:s2+s25], $0x80, s20, s25, $0xb8;
	[tilespmem:$0xEF00] =	vst v63  }
0x3f: {  	p1 =	sne.s32 s22, $0x7D;
	_ =	swait.ge @p0 [sflag:s26], $0x2800  }
0x40: {  	[sflag:s26] =	ssyncset.done @p0 $0x0  }
0x41: {  	s24 =	simm.s32 @p0 $0x4;
	[sflag:s26] =	ssyncadd.s32 @p0 $0xFFFFD800  }
0x42: {  	_ =	swait.ge @p0 [sflag:s24], $0x2800  }
0x43: {  	s25 =	simm.s32 @p0 $0x6;
	[sflag:s24] =	ssyncset.done @p0 $0x0  }
0x44: {  	s26 =	simm.s32 @p0 $0x7700;
	[sflag:s24] =	ssyncadd.s32 @p0 $0xFFFFD800;
	s24 =	simm.s32 @p0 $0x0  }
0x45: {  	[hbm4b:s19+s24] =	stream.linear.scatter @p0 [tilespmem:s26], [sflag:$0x6], $0x2800, $0x38;
	[tilespmem:$0xEF00] =	vst v63  }
0x46: {  	_ =	swait.ge @p0 [sflag:s25], $0x2800  }
0x47: {  	[sflag:s25] =	ssyncset.done @p0 $0x0  }
0x48: {  	[sflag:s25] =	ssyncadd.s32 @p0 $0xFFFFD800;
	s25 =	simm.s32 @p0 $0xC700  }
0x49: {  	[hbm4b:s18+s24] =	stream.linear.scatter @p0 [tilespmem:s25], [sflag:$0x5], $0x2800, $0x38;
	[tilespmem:$0xEF00] =	vst v63  }
0x4a: {  	s24 =	simm.s32 @!p0 $0x50;
	s25 =	simm.s32 @!p0 $0x7700  }
0x4b: {  	[tilespmem:s25], [sflag:$0x3] =	stream.indirect.gather @!p0 [hbm4b:s2+s24], $0x80, s21, s24, $0xb8;
	[tilespmem:$0xEF00] =	vst v63  }
0x4c: {  	s26 =	simm.s32 @!p0 $0x1;
	s25 =	simm.s32 @!p0 $0xC700  }
0x4d: {  	[tilespmem:s25], [sflag:$0x4] =	stream.indirect.gather @!p0 [hbm4b:s2+s24], $0x80, s20, s24, $0xb8;
	[tilespmem:$0xEF00] =	vst v63  }
0x4e: {  	_ =	swait.ge @!p0 [sflag:s26], $0x2800  }
0x4f: {  	[sflag:s26] =	ssyncset.done @!p0 $0x0  }
0x50: {  	s25 =	simm.s32 @!p0 $0x2;
	[sflag:s26] =	ssyncadd.s32 @!p0 $0xFFFFD800  }
0x51: {  	_ =	swait.ge @!p0 [sflag:s25], $0x2800  }
0x52: {  	s24 =	simm.s32 @!p0 $0x6;
	[sflag:s25] =	ssyncset.done @!p0 $0x0  }
0x53: {  	s26 =	simm.s32 @!p0 $0x4F00;
	[sflag:s25] =	ssyncadd.s32 @!p0 $0xFFFFD800;
	s25 =	simm.s32 @!p0 $0x0  }
0x54: {  	[hbm4b:s19+s25] =	stream.linear.scatter @!p0 [tilespmem:s26], [sflag:$0x6], $0x2800, $0x38;
	[tilespmem:$0xEF00] =	vst v63  }
0x55: {  	s21 =	sadd.s32 $0x50, s21;
	_ =	swait.ge @!p0 [sflag:s24], $0x2800  }
.Ltmp0:
0x56: {  	s20 =	sadd.s32 $0x50, s20;
	[sflag:s24] =	ssyncset.done @!p0 $0x0;
	(pc) =	sbr.rel @p1 .LBB2_2-.Ltmp0, $4  }
0x57: {  	s26 =	simm.s32 @!p0 $0x9F00;
	[sflag:s24] =	ssyncadd.s32 @!p0 $0xFFFFD800;
	s24 =	simm.s32 @p0 $0x5  }
0x58: {  	[hbm4b:s18+s25] =	stream.linear.scatter @!p0 [tilespmem:s26], [sflag:$0x6], $0x2800, $0x38;
	[tilespmem:$0xEF00] =	vst v63  }
0x59: {  	s23 =	sand.u32 $0x1, s23;
	s18 =	sadd.s32 $0x500, s18;
	_ =	swait.ge [sflag:s24], $0x2800  }
0x5a: {  	s19 =	sadd.s32 $0x500, s19;
	p0 =	seq.s32 s23, $0x0;
	[sflag:s24] =	ssyncset.done $0x0  }
0x5b: {  	s22 =	simm.s32 @p0 $0x50;
	s23 =	simm.s32 @p0 $0x4F00;
	[sflag:s24] =	ssyncadd.s32 $0xFFFFD800  }
0x5c: {  	[tilespmem:s23], [sflag:$0x1] =	stream.indirect.gather @p0 [hbm4b:s2+s22], $0x80, s21, s22, $0xb8;
	[tilespmem:$0xEF00] =	vst v63  }
0x5d: {  	s24 =	simm.s32 @p0 $0x3;
	s23 =	simm.s32 @p0 $0x9F00  }
0x5e: {  	[tilespmem:s23], [sflag:$0x2] =	stream.indirect.gather @p0 [hbm4b:s2+s22], $0x80, s20, s22, $0xb8;
	[tilespmem:$0xEF00] =	vst v63  }
0x5f: {  	_ =	swait.ge @p0 [sflag:s24], $0x2800  }
0x60: {  	[sflag:s24] =	ssyncset.done @p0 $0x0  }
0x61: {  	s22 =	simm.s32 @p0 $0x4;
	[sflag:s24] =	ssyncadd.s32 @p0 $0xFFFFD800  }
0x62: {  	_ =	swait.ge @p0 [sflag:s22], $0x2800  }
0x63: {  	s23 =	simm.s32 @p0 $0x6;
	[sflag:s22] =	ssyncset.done @p0 $0x0  }
0x64: {  	s24 =	simm.s32 @p0 $0x7700;
	[sflag:s22] =	ssyncadd.s32 @p0 $0xFFFFD800;
	s22 =	simm.s32 @p0 $0x0  }
0x65: {  	[hbm4b:s19+s22] =	stream.linear.scatter @p0 [tilespmem:s24], [sflag:$0x6], $0x2800, $0x38;
	[tilespmem:$0xEF00] =	vst v63  }
0x66: {  	_ =	swait.ge @p0 [sflag:s23], $0x2800  }
0x67: {  	[sflag:s23] =	ssyncset.done @p0 $0x0  }
0x68: {  	[sflag:s23] =	ssyncadd.s32 @p0 $0xFFFFD800;
	s23 =	simm.s32 @p0 $0xC700  }
0x69: {  	[hbm4b:s18+s22] =	stream.linear.scatter @p0 [tilespmem:s23], [sflag:$0x5], $0x2800, $0x38;
	[tilespmem:$0xEF00] =	vst v63  }
0x6a: {  	s22 =	simm.s32 @!p0 $0x50;
	s23 =	simm.s32 @!p0 $0x7700  }
0x6b: {  	[tilespmem:s23], [sflag:$0x3] =	stream.indirect.gather @!p0 [hbm4b:s2+s22], $0x80, s21, s22, $0xb8;
	[tilespmem:$0xEF00] =	vst v63  }
0x6c: {  	s21 =	simm.s32 @!p0 $0xC700;
	s23 =	simm.s32 @!p0 $0x1  }
0x6d: {  	[tilespmem:s21], [sflag:$0x4] =	stream.indirect.gather @!p0 [hbm4b:s2+s22], $0x80, s20, s22, $0xb8;
	[tilespmem:$0xEF00] =	vst v63  }
0x6e: {  	_ =	swait.ge @!p0 [sflag:s23], $0x2800  }
0x6f: {  	[sflag:s23] =	ssyncset.done @!p0 $0x0  }
0x70: {  	s20 =	simm.s32 @!p0 $0x2;
	[sflag:s23] =	ssyncadd.s32 @!p0 $0xFFFFD800  }
0x71: {  	_ =	swait.ge @!p0 [sflag:s20], $0x2800  }
0x72: {  	s21 =	simm.s32 @!p0 $0x6;
	[sflag:s20] =	ssyncset.done @!p0 $0x0  }
0x73: {  	s22 =	simm.s32 @!p0 $0x4F00;
	[sflag:s20] =	ssyncadd.s32 @!p0 $0xFFFFD800;
	s20 =	simm.s32 @!p0 $0x0  }
0x74: {  	[hbm4b:s19+s20] =	stream.linear.scatter @!p0 [tilespmem:s22], [sflag:$0x6], $0x2800, $0x38;
	[tilespmem:$0xEF00] =	vst v63  }
0x75: {  	_ =	swait.ge @!p0 [sflag:s21], $0x2800  }
0x76: {  	[sflag:s21] =	ssyncset.done @!p0 $0x0  }
0x77: {  	s19 =	simm.s32 @!p0 $0x9F00;
	[sflag:s21] =	ssyncadd.s32 @!p0 $0xFFFFD800;
	s21 =	simm.s32 @p0 $0x5  }
0x78: {  	[hbm4b:s18+s20] =	stream.linear.scatter @!p0 [tilespmem:s19], [sflag:$0x6], $0x2800, $0x38;
	[tilespmem:$0xEF00] =	vst v63  }
0x79: {  	_ =	swait.ge [sflag:s21], $0x2800  }
0x7a: {  	[sflag:s21] =	ssyncset.done $0x0  }
0x7b: {  	[sflag:s21] =	ssyncadd.s32 $0xFFFFD800  }
0x7c: {  	_ =	swait.ge [sflag:s15], $0x2800  }
0x7d: {  	[sflag:s15] =	ssyncset.done $0x0  }
0x7e: {  	[sflag:s15] =	ssyncadd.s32 $0xFFFFD800  }
0x7f: {  	_ =	swait.ge [sflag:s16], $0x2800  }
0x80: {  	[sflag:s16] =	ssyncset.done $0x0  }
0x81: {  	[sflag:s16] =	ssyncadd.s32 $0xFFFFD800  }
0x82: {  	[hbm4b:s6+s3] =	stream.linear.scatter [tilespmem:s13], [sflag:$0x5], $0x2800, $0x38;
	[tilespmem:$0xEF00] =	vst v63  }
0x83: {  	s17 =	sadd.s32 $0x1, s17;
	_ =	swait.ge [sflag:s11], $0x2800  }
0x84: {  	p0 =	sne.s32 s17, s8;
	[sflag:s11] =	ssyncset.done $0x0  }
.Ltmp1:
0x85: {  	[sflag:s11] =	ssyncadd.s32 $0xFFFFD800;
	(pc) =	sbr.rel @p0 .LBB2_1-.Ltmp1, $4  }
0x86: {  	[hbm4b:s7+s3] =	stream.linear.scatter [tilespmem:s14], [sflag:$0x5], $0x2800, $0x38;
	[tilespmem:$0xEF00] =	vst v63  }
0x87: {  	_ =	swait.ge [sflag:s11], $0x2800  }
0x88: {  	[sflag:s11] =	ssyncset.done $0x0  }
0x89: {  	[sflag:s11] =	ssyncadd.s32 $0xFFFFD800  }
0x8a: {  	_ =	sfence.sel $0x180000  }
0x8b: {  	[bflag:$0x0] =	sbarrier.arrive $0xFFFF  }
0x8c: {  	p0 =	sne.s32 s0, $0x0;
	_ =	strace $0x90000047  }
0x8d: {  	s0 =	sadd.s32 @!p0 $0x100000, s1;
	[bflag:$0x2] =	sbarrier.arrive $0xFFFF  }
0x8e: {  	[sflag:s0] =	ssyncadd.tile.s32 @!p0 $0x1;
	_ =	shalt  }
.Lfunc_end2:
_tile_overlayer_lowered:
.L_overlay_start_2:
0x8f: {  	(tag) =	ssettag $0x2  }
0x90: {  	s0 =	rddreg [dreg:$0x0];
	s2 =	stileid.u32  }
0x91: {  	s1 =	rddreg [dreg:$0x1];
	p0 =	sne.s32 s2, $0x0  }
0x92: {  	s3 =	rddreg [dreg:$0x2];
	[bflag:$0x3] =	sbarrier.arrive $0xFFFF;
	s2 =	simm.s32 @!p0 $0x1C05  }
0x93: {  	[timem:s3], [sflag:s2] =	dma.local @!p0 [hbm:s0], s1  }
0x94: {  	s0 =	simm.s32 @!p0 $0x5  }
0x95: {  	_ =	swait.ge @!p0 [sflag:s0], s1  }
0x96: {  	s1 =	ssub.s32 @!p0 $0x0, s1;
	[sflag:s0] =	ssyncset.done @!p0 $0x0  }
0x97: {  	[sflag:s0] =	ssyncadd.s32 @!p0 s1  }
0x98: {  	[bflag:$0x3] =	sbarrier.arrive $0xFFFF  }
0x99: {  	_ =	shalt  }

// kernel: kernel.9.cloned.1.call-start
scs
__scs_entry_jumppad:
0x0: {  	(pc) =	sbr.rel $0x88, $3  }
0x1: {  	(tag) =	ssettag $0x0;
	lr =	simm.s32 $0x1  }
0x2: {  	[smem:$0x3F97] =	sst lr;
	_ =	strace $0xD0000000  }
0x3: {  	_ = 	snop  }
0x4: {  	_ = 	snop  }
0x5: {  	_ = 	snop  }
0x6: {  	_ = 	snop  }
0x7: {  	_ = 	snop  }
__scs_overlays_trampoline_lowered:
0x8: {  	[smem:$0x3FA6] =	sst s0  }
0x9: {  	[smem:$0x3FA7] =	sst s1  }
0xa: {  	[smem:$0x3FA8] =	sst s2  }
0xb: {  	[smem:$0x3FA9] =	sst s3  }
0xc: {  	[smem:$0x3FAA] =	sst s4  }
0xd: {  	[smem:$0x3FAB] =	sst s5  }
0xe: {  	[smem:$0x3FAC] =	sst s6  }
0xf: {  	[smem:$0x3FAD] =	sst s7  }
0x10: {  	[smem:$0x3FAE] =	sst s8  }
0x11: {  	[smem:$0x3FAF] =	sst s9;
	s0 =	simm.s32 @!p0 $0x0  }
0x12: {  	s1 =	sld [smem:$0x3F95];
	s0 =	simm.s32 @p0 $0x1  }
0x13: {  	[smem:$0x3FB0] =	sst s0;
	s0 =	simm.s32 @!p1 $0x0  }
0x14: {  	s2 =	sld [smem:$0x3F94];
	s0 =	simm.s32 @p1 $0x1  }
0x15: {  	[smem:$0x3FB1] =	sst s0;
	s0 =	simm.s32 @!p2 $0x0  }
0x16: {  	s3 =	sld [smem:$0x3FDB];
	s0 =	simm.s32 @p2 $0x1  }
0x17: {  	s4 =	simm.s32 $0x1BF5;
	[smem:$0x3FB3] =	sst s0  }
0x18: {  	s0 =	sld [smem:$0x3F96];
	_ =	swait.ge [sflag:s4], $0x0  }
0x19: {  	s7 =	sld [smem:$0x3F97]  }
0x1a: {  	s8 =	sadd.s32 $0xFFFFE003, lr  }
0x1b: {  	s9 =	sadd.s32 $0xFFFFFEF7, lr;
	s5 =	simm.s32 $0xFFFFFFFF;
	p2 =	slt.u32 s8, $0xFFFFF086  }
0x1c: {  	p1 =	slt.u32 s9, $0xF7A;
	s5 =	simm.s32 @!p2 $0x0  }
0x1d: {  	s5 =	simm.s32 @p1 $0x1;
	p0 =	seq.s32 s7, s2  }
0x1e: {  	s7 =	smul.u32 @!p0 $0xF7A, s2;
	p2 =	seq.s32 @!p0 s5, $0x0  }
0x1f: {  	s9 =	smul.u32 $0xF7A, s1;
	s8 =	simm.s32 @!p0 $0x1BF5;
	p2 =	por !p2, p0  }
0x20: {  	[sflag:s8] =	ssyncset.s32 @!p0 $0xFFFFF086;
	s6 =	sadd.s32 @!p0 s3, s7;
	s7 =	simm.s32 @!p0 $0x108  }
0x21: {  	s3 =	sadd.s32 s3, s9;
	s6 =	sadd.s32 @!p0 $0x88, s6;
	s7 =	simm.s32 @p2 $0x1082  }
0x22: {  	[simem:s7], [sflag:s8] =	dma.local @!p0 [hbm:s6], $0xF7A  }
0x23: {  	s9 =	sor.u32 $0xD0000000, s2;
	s6 =	simm.s32 $0x108;
	_ =	swait.ge @!p0 [sflag:s8], $0x0  }
0x24: {  	s3 =	sadd.s32 $0x88, s3;
	s6 =	simm.s32 @!p1 $0x1082;
	[sflag:s4] =	ssyncset.s32 $0xFFFFF086  }
0x25: {  	[simem:s6], [sflag:s4] =	dma.local [hbm:s3], $0xF7A  }
0x26: {  	[smem:$0x3F97] =	sst s1;
	(tag) =	ssettag s2;
	_ =	strace s9  }
0x27: {  	s1 =	sld [smem:$0x3FA7]  }
0x28: {  	s2 =	sld [smem:$0x3FA8]  }
0x29: {  	s4 =	sld [smem:$0x3FAA]  }
0x2a: {  	p0 =	seq.s32 s5, $0x0;
	s5 =	sld [smem:$0x3FAB]  }
0x2b: {  	s6 =	sld [smem:$0x3FAC]  }
0x2c: {  	s7 =	sld [smem:$0x3FAD]  }
0x2d: {  	s3 =	simm.s32 $0x108;
	s8 =	sld [smem:$0x3FAE]  }
0x2e: {  	s3 =	simm.s32 @!p0 $0x1082;
	s9 =	sld [smem:$0x3FAF]  }
0x2f: {  	lr =	sadd.s32 s0, s3;
	s0 =	sld [smem:$0x3FA6]  }
0x30: {  	s3 =	sld [smem:$0x3FA9]  }
0x31: {  	[smem:$0x3FB2] =	sst s10  }
0x32: {  	s10 =	sld [smem:$0x3FB0];
	_ =	sdelay $0x3  }
0x33: {  	p0 =	seq.s32 s10, $0x1;
	s10 =	sld [smem:$0x3FB2];
	_ =	sdelay $0x3  }
0x34: {  	[smem:$0x3FB2] =	sst s10  }
0x35: {  	s10 =	sld [smem:$0x3FB1];
	_ =	sdelay $0x3  }
0x36: {  	p1 =	seq.s32 s10, $0x1;
	s10 =	sld [smem:$0x3FB2];
	_ =	sdelay $0x3  }
0x37: {  	[smem:$0x3FB2] =	sst s10  }
0x38: {  	s10 =	sld [smem:$0x3FB3]  }
0x39: {  	_ = 	snop;
	(pc) =	sbr.ind lr, $3  }
0x3a: {  	_ = 	snop  }
0x3b: {  	_ = 	snop  }
0x3c: {  	p2 =	seq.s32 s10, $0x1;
	s10 =	sld [smem:$0x3FB2]  }
0x3d: {  	_ =	shalt  }
0x3e: {  	_ =	shalt  }
0x3f: {  	_ =	shalt  }
0x40: {  	_ =	shalt  }
0x41: {  	_ =	shalt  }
0x42: {  	_ =	shalt  }
0x43: {  	_ =	shalt  }
0x44: {  	_ =	shalt  }
0x45: {  	_ =	shalt  }
0x46: {  	_ =	shalt  }
0x47: {  	_ =	shalt  }
0x48: {  	_ =	shalt  }
0x49: {  	_ =	shalt  }
0x4a: {  	_ =	shalt  }
0x4b: {  	_ =	shalt  }
0x4c: {  	_ =	shalt  }
0x4d: {  	_ =	shalt  }
0x4e: {  	_ =	shalt  }
0x4f: {  	_ =	shalt  }
0x50: {  	_ =	shalt  }
0x51: {  	_ =	shalt  }
0x52: {  	_ =	shalt  }
0x53: {  	_ =	shalt  }
0x54: {  	_ =	shalt  }
0x55: {  	_ =	shalt  }
0x56: {  	_ =	shalt  }
0x57: {  	_ =	shalt  }
0x58: {  	_ =	shalt  }
0x59: {  	_ =	shalt  }
0x5a: {  	_ =	shalt  }
0x5b: {  	_ =	shalt  }
0x5c: {  	_ =	shalt  }
0x5d: {  	_ =	shalt  }
0x5e: {  	_ =	shalt  }
0x5f: {  	_ =	shalt  }
0x60: {  	_ =	shalt  }
0x61: {  	_ =	shalt  }
0x62: {  	_ =	shalt  }
0x63: {  	_ =	shalt  }
0x64: {  	_ =	shalt  }
0x65: {  	_ =	shalt  }
0x66: {  	_ =	shalt  }
0x67: {  	_ =	shalt  }
0x68: {  	_ =	shalt  }
0x69: {  	_ =	shalt  }
0x6a: {  	_ =	shalt  }
0x6b: {  	_ =	shalt  }
0x6c: {  	_ =	shalt  }
0x6d: {  	_ =	shalt  }
0x6e: {  	_ =	shalt  }
0x6f: {  	_ =	shalt  }
0x70: {  	_ =	shalt  }
0x71: {  	_ =	shalt  }
0x72: {  	_ =	shalt  }
0x73: {  	_ =	shalt  }
0x74: {  	_ =	shalt  }
0x75: {  	_ =	shalt  }
0x76: {  	_ =	shalt  }
0x77: {  	_ =	shalt  }
0x78: {  	_ =	shalt  }
0x79: {  	_ =	shalt  }
0x7a: {  	_ =	shalt  }
0x7b: {  	_ =	shalt  }
0x7c: {  	_ =	shalt  }
0x7d: {  	_ =	shalt  }
0x7e: {  	_ =	shalt  }
0x7f: {  	_ =	shalt  }
0x80: {  	_ =	shalt  }
0x81: {  	_ =	shalt  }
0x82: {  	_ =	shalt  }
0x83: {  	_ =	shalt  }
0x84: {  	_ =	shalt  }
0x85: {  	_ =	shalt  }
0x86: {  	_ =	shalt  }
0x87: {  	_ =	shalt  }
.Lfunc_end0:
.L_simem_size_0:
called_computation.1_lowered:
.L_overlay_start_0:
0x88: {  	s2 =	sld [smem:$0x3FD9]  }
0x89: {  	s3 =	sld [smem:$0x3FFE];
	_ =	sdelay $0x1  }
0x8a: {  	s1 =	srdreg.scid  }
0x8b: {  	s0 =	sand.u32 $0x1, s1  }
0x8c: {  	s16 =	sshll.u32 s0, $0xA;
	s2 =	sadd.s32 s3, s2  }
0x8d: {  	s2 =	sadd.s32 s2, s16  }
0x8e: {  	[smem:$0x3FBE] =	sst s2  }
0x8f: {  	_ = 	snop  }
0x90: {  	(tm) =	ssettm $0x1  }
0x91: {  	s17 =	sld [smem:$0x3FFB];
	_ =	sdelay $0x3  }
0x92: {  	_ =	strace s17  }
0x93: {  	s2 =	sld [smem:$0x3FFC];
	_ =	sdelay $0x3  }
0x94: {  	_ =	strace s2  }
0x95: {  	s2 =	sld [smem:$0x3FFD];
	_ =	sdelay $0x3  }
0x96: {  	_ =	strace s2  }
0x97: {  	_ =	strace $0x8FFFFFFF  }
0x98: {  	s18 =	sld [smem:$0x3FDB];
	_ =	sdelay $0x1  }
0x99: {  	s19 =	simm.s32 $_scs_section_size  }
0x9a: {  	s4 =	simm.s32 $_size__tile_overlayer_lowered;
	s5 =	simm.s32 $_tile_overlayer_lowered  }
0x9b: {  	s22 =	simm.s32 $0x1BFF;
	s21 =	sshll.u32 s5, $0x1;
	s2 =	sadd.s32 s19, s18  }
0x9c: {  	s6 =	simm.s32 $0x0;
	s20 =	sshll.u32 s4, $0x1;
	s4 =	sadd.s32 s21, s2  }
0x9d: {  	[timem:s6], [sflag:s22] =	dma.local [hbm:s4], s20  }
0x9e: {  	_ =	swait.ge [sflag:s22], s20  }
0x9f: {  	s3 =	ssub.s32 $0x0, s20;
	[sflag:s22] =	ssyncset.done $0x0  }
0xa0: {  	[sflag:s22] =	ssyncadd.s32 s3;
	_ =	sdelay $0x1  }
0xa1: {  	s23 =	simm.s32 $0x1B8B  }
0xa2: {  	_ =	swait.ge [sflag:s23], $0x1  }
0xa3: {  	[sflag:s23] =	ssyncset.done $0x0  }
0xa4: {  	s25 =	simm.s32 $0x1B8E;
	s24 =	sld [smem:$0x3FFE];
	[sflag:s23] =	ssyncadd.s32 $0xFFFFFFFF  }
0xa5: {  	s26 =	simm.s32 $execute0_lowered;
	[smem:$0x3FD2] =	sst s25  }
0xa6: {  	s4 =	sshll.u32 s26, $0x1;
	_ =	strace $0x80000049;
	[dreg:$0x1] =	wrdreg $0xFFFFFFFF  }
0xa7: {  	s28 =	simm.s32 $_size_execute0_lowered;
	s2 =	sadd.s32 s2, s4;
	[dreg:$0x0] =	wrdreg $0x0  }
0xa8: {  	s4 =	sshll.u32 s28, $0x1;
	[dreg:$0x2] =	wrdreg s2  }
0xa9: {  	[dreg:$0x3] =	wrdreg s4  }
0xaa: {  	[dreg:$0x4] =	wrdreg $0xC0  }
0xab: {  	_ =	task [dreg:s6], $0x5FFFF  }
0xac: {  	[dreg:$0x1] =	wrdreg $0xFFFFFFFF  }
0xad: {  	[dreg:$0x0] =	wrdreg $0x60  }
0xae: {  	[dreg:$0x2] =	wrdreg s24  }
0xaf: {  	[dreg:$0x3] =	wrdreg $0x90000  }
0xb0: {  	[dreg:$0x4] =	wrdreg $0x9  }
0xb1: {  	_ =	task.clear_ibuf [dreg:s6], $0x5FFFF;
	_ =	strace $0x90000049  }
0xb2: {  	s29 =	simm.s32 $0x9;
	_ =	strace $0x8000004B  }
0xb3: {  	_ =	swait.ge [sflag:s29], $0x1  }
0xb4: {  	[sflag:s29] =	ssyncadd.s32 $0xFFFFFFFF  }
0xb5: {  	_ =	strace $0x9000004B  }
0xb6: {  	_ =	sfence  }
0xb7: {  	s30 =	sld [smem:$0x0];
	_ =	sdelay $0x2  }
0xb8: {  	s31 =	sshll.u32 s1, $0xD;
	s1 =	sshrl.u32 s1, $0x2  }
0xb9: {  	s3 =	sand.u32 $0x4000, s31;
	s1 =	sadd.s32 s1, s30  }
0xba: {  	s0 =	sor.u32 s3, s0;
	s1 =	sshll.u32 s1, $0x11  }
0xbb: {  	s0 =	sor.u32 s1, s0  }
0xbc: {  	s0 =	sadd.s32 $0x8F2B, s0  }
0xbd: {  	[sflag:s0] =	ssyncadd.remote.s32 $0x1  }
0xbe: {  	_ =	sfence.sel $0xFFFF  }
0xbf: {  	[dreg:$0x0] =	wrdreg $0xFFFFFFFF;
	(pc) =	sbr.abs _section_cstart, $3  }
0xc0: {  	[dreg:$0x1] =	wrdreg $0xFFFFFFFF  }
0xc1: {  	_ =	task.clear_ibuf [dreg:s6], $0x2FFFF;
	_ =	strace $0x9FFFFFFF  }
0xc2: {  	(tm) =	ssettm $0x7FFFFFFF  }
0xc3: {  	_ =	shalt  }
tec
execute0_lowered:
.L_overlay_start_1:
0x0: {  	(tag) =	ssettag $0x1  }
0x1: {  	s4 =	rddreg [dreg:$0x0]  }
0x2: {  	s2 =	rddreg [dreg:$0x1]  }
0x3: {  	s0 =	rddreg [dreg:$0x2]  }
0x4: {  	s5 =	srdreg.scid;
	s1 =	stileid.u32  }
0x5: {  	s3 =	simm.s32 $0x0;
	s14 =	simm.s32 $0x1;
	s15 =	simm.s32 $0x50  }
0x6: {  	s16 =	simm.s32 $0x3E00;
	s17 =	simm.s32 $0x0;
	s7 =	smul.u32 $0x14000, s1  }
0x7: {  	s6 =	sand.u32 $0x1, s5;
	s23 =	sshll.u32 s1, $0x1;
	s13 =	smul.u32 $0x50000, s1  }
0x8: {  	[smem:$0x7FF] =	sst s3;
	s10 =	sadd.s32 $0xECBC00, s4;
	s28 =	smul.u32 $0x4E200, s1  }
0x9: {  	s31 =	sshll.u32 s1, $0x6;
	s5 =	sor.u32 s6, s23;
	s9 =	smul.u32 $0x140000, s6  }
0xa: {  	_ =	strace $0x8000004A;
	s24 =	ssub.s32 $0x2, s6;
	s29 =	smul.u32 $0x27100, s6  }
0xb: {  	s8 =	sshll.u32 s5, $0xB;
	s11 =	sshrl.u32 s7, $0x3;
	s12 =	sshrl.u32 s24, $0x1  }
0xc: {  	s25 =	smul.u32 $0x27100, s5;
	s26 =	sshrl.u32 s13, $0x2;
	s8 =	sadd.s32 s8, s4  }
0xd: {  	s11 =	sadd.s32 s11, s4;
	s7 =	sadd.s32 s7, s9;
	s9 =	ssub.s32 s24, s12  }
0xe: {  	s13 =	sadd.s32 s26, s2;
	s7 =	sshrl.u32 s7, $0x3;
	s5 =	sadd.s32 $0x9E9C00, s11  }
0xf: {  	s6 =	sadd.s32 s10, s25;
	s10 =	sadd.s32 s28, s10;
	s11 =	sor.u32 $0x1C03, s31  }
0x10: {  	s12 =	sshrl.u32 s13, $0x3;
	s13 =	simm.s32 $0x4000;
	s7 =	sadd.s32 s7, s4  }
0x11: {  	s4 =	sadd.s32 $0x9D9C00, s8;
	s8 =	smax.u32 s9, $0x1;
	s30 =	sadd.s32 s29, s10  }
0x12: {  	s10 =	simm.s32 $0x3;
	s7 =	sadd.s32 $0xA11C00, s7;
	s9 =	sadd.s32 $0x500, s30  }
.LBB2_1:
0x13: {  	[tilespmem:s3], [sflag:$0x3] =	stream.linear.gather [hbm4b:s4+s3], $0x3E80, $0x38;
	[tilespmem:$0x1D000] =	vst v63  }
0x14: {  	_ =	swait.ge [sflag:s10], $0x3E80  }
0x15: {  	[sflag:s10] =	ssyncset.done $0x0  }
0x16: {  	[sflag:s10] =	ssyncadd.s32 $0xFFFFC180  }
0x17: {  	[spmem:s12], [sflag:s11] =	dma.local [hbm:s5], $0x2800  }
0x18: {  	_ =	swait.ge [sflag:s10], $0x2800  }
0x19: {  	[sflag:s10] =	ssyncset.done $0x0  }
0x1a: {  	s18 =	sand.u32 $0x1, s14;
	[sflag:s10] =	ssyncadd.s32 $0xFFFFD800  }
0x1b: {  	p0 =	seq.s32 s18, $0x0;
	[bflag:$0x0] =	sbarrier.arrive $0xFFFF  }
0x1c: {  	[tilespmem:s13], [sflag:$0x1] =	stream.linear.gather [hbm4b:s6+s3], $0x2800, $0x38;
	[tilespmem:$0x1D000] =	vst v63  }
0x1d: {  	s18 =	simm.s32 @p0 $0x0;
	s19 =	simm.s32 @p0 $0x4000;
	s20 =	simm.s32 @p0 $0x2  }
0x1e: {  	[tilespmem:s19], [sflag:$0x1] =	stream.linear.gather @p0 [hbm4b:s9+s18], $0x2800, $0x38;
	[tilespmem:$0x1D000] =	vst v63  }
0x1f: {  	_ =	swait.ge @p0 [sflag:s20], $0x2800  }
0x20: {  	[sflag:s20] =	ssyncset.done @p0 $0x0  }
0x21: {  	s18 =	simm.s32 @p0 $0x50;
	s19 =	simm.s32 @p0 $0x6800;
	[sflag:s20] =	ssyncadd.s32 @p0 $0xFFFFD800  }
0x22: {  	[spmem:s2] =	stream.indirect.scatter.add.f32 @p0 [tilespmem:s19], [sflag:$0x3], $0x80, s3, s18, $0xb8;
	[tilespmem:$0x1D000] =	vst v63  }
0x23: {  	s22 =	simm.s32 @!p0 $0x1;
	s18 =	simm.s32 @!p0 $0x0;
	s19 =	simm.s32 @!p0 $0x6800  }
0x24: {  	[tilespmem:s19], [sflag:$0x2] =	stream.linear.gather @!p0 [hbm4b:s9+s18], $0x2800, $0x38;
	[tilespmem:$0x1D000] =	vst v63  }
0x25: {  	s21 =	simm.s32 @!p0 $0x4;
	_ =	swait.ge @!p0 [sflag:s22], $0x2800  }
0x26: {  	s31 =	simm.s32 $0x2;
	s21 =	simm.s32 @p0 $0x3;
	[sflag:s22] =	ssyncset.done @!p0 $0x0  }
0x27: {  	s19 =	simm.s32 @!p0 $0x4000;
	[sflag:s22] =	ssyncadd.s32 @!p0 $0xFFFFD800;
	s22 =	simm.s32 @!p0 $0x50  }
0x28: {  	[spmem:s2] =	stream.indirect.scatter.add.f32 @!p0 [tilespmem:s19], [sflag:$0x4], $0x80, s3, s22, $0xb8;
	[tilespmem:$0x1D000] =	vst v63  }
0x29: {  	s20 =	simm.s32 $0x3;
	s18 =	sand.u32 $0x1, s31;
	s19 =	sadd.s32 $0x500, s9  }
0x2a: {  	p0 =	seq.s32 s18, $0x0;
	s18 =	simm.s32 $0x80;
	_ =	swait.ge [sflag:s21], $0x2800  }
.LBB2_2:
0x2b: {  	s22 =	simm.s32 @p0 $0x0;
	s23 =	simm.s32 @p0 $0x4000  }
0x2c: {  	[sflag:s21] =	ssyncset.done $0x0;
	s24 =	smov.u32 s20;
	s25 =	smov.u32 s19  }
0x2d: {  	s20 =	sadd.s32 $0x1, s20;
	s26 =	simm.s32 @p0 $0x2;
	[sflag:s21] =	ssyncadd.s32 $0xFFFFD800  }
0x2e: {  	[tilespmem:s23], [sflag:$0x1] =	stream.linear.gather @p0 [hbm4b:s19+s22], $0x2800, $0x38;
	[tilespmem:$0x1D000] =	vst v63  }
0x2f: {  	p1 =	sne.s32 s20, $0x7D;
	_ =	swait.ge @p0 [sflag:s26], $0x2800  }
0x30: {  	s19 =	sadd.s32 $0x500, s19;
	[sflag:s26] =	ssyncset.done @p0 $0x0  }
0x31: {  	s21 =	simm.s32 @p0 $0x50;
	s22 =	simm.s32 @p0 $0x6800;
	[sflag:s26] =	ssyncadd.s32 @p0 $0xFFFFD800  }
0x32: {  	[spmem:s2] =	stream.indirect.scatter.add.f32 @p0 [tilespmem:s22], [sflag:$0x3], $0x80, s18, s21, $0xb8;
	[tilespmem:$0x1D000] =	vst v63  }
0x33: {  	s23 =	simm.s32 @!p0 $0x1;
	s21 =	simm.s32 @!p0 $0x0;
	s22 =	simm.s32 @!p0 $0x6800  }
0x34: {  	[tilespmem:s22], [sflag:$0x2] =	stream.linear.gather @!p0 [hbm4b:s25+s21], $0x2800, $0x38;
	[tilespmem:$0x1D000] =	vst v63  }
.Ltmp0:
0x35: {  	s22 =	sand.u32 $0x1, s24;
	_ =	swait.ge @!p0 [sflag:s23], $0x2800;
	(pc) =	sbr.rel @p1 .LBB2_2-.Ltmp0, $4  }
0x36: {  	s24 =	simm.s32 @!p0 $0x4000;
	s21 =	simm.s32 @!p0 $0x4;
	[sflag:s23] =	ssyncset.done @!p0 $0x0  }
0x37: {  	s21 =	simm.s32 @p0 $0x3;
	[sflag:s23] =	ssyncadd.s32 @!p0 $0xFFFFD800;
	s23 =	simm.s32 @!p0 $0x50  }
0x38: {  	[spmem:s2] =	stream.indirect.scatter.add.f32 @!p0 [tilespmem:s24], [sflag:$0x4], $0x80, s18, s23, $0xb8;
	[tilespmem:$0x1D000] =	vst v63  }
0x39: {  	p0 =	seq.s32 s22, $0x0;
	s18 =	sadd.s32 $0x80, s18;
	_ =	swait.ge [sflag:s21], $0x2800  }
0x3a: {  	s20 =	simm.s32 @p0 $0x0;
	[sflag:s21] =	ssyncset.done $0x0  }
0x3b: {  	s22 =	simm.s32 @p0 $0x4000;
	s23 =	simm.s32 @p0 $0x2;
	[sflag:s21] =	ssyncadd.s32 $0xFFFFD800  }
0x3c: {  	[tilespmem:s22], [sflag:$0x1] =	stream.linear.gather @p0 [hbm4b:s19+s20], $0x2800, $0x38;
	[tilespmem:$0x1D000] =	vst v63  }
0x3d: {  	_ =	swait.ge @p0 [sflag:s23], $0x2800  }
0x3e: {  	[sflag:s23] =	ssyncset.done @p0 $0x0  }
0x3f: {  	s21 =	simm.s32 @p0 $0x6800;
	s20 =	simm.s32 @p0 $0x50;
	[sflag:s23] =	ssyncadd.s32 @p0 $0xFFFFD800  }
0x40: {  	[spmem:s2] =	stream.indirect.scatter.add.f32 @p0 [tilespmem:s21], [sflag:$0x3], $0x80, s18, s20, $0xb8;
	[tilespmem:$0x1D000] =	vst v63  }
0x41: {  	s22 =	simm.s32 @!p0 $0x1;
	s20 =	simm.s32 @!p0 $0x0;
	s21 =	simm.s32 @!p0 $0x6800  }
0x42: {  	[tilespmem:s21], [sflag:$0x2] =	stream.linear.gather @!p0 [hbm4b:s19+s20], $0x2800, $0x38;
	[tilespmem:$0x1D000] =	vst v63  }
0x43: {  	_ =	swait.ge @!p0 [sflag:s22], $0x2800  }
0x44: {  	s19 =	simm.s32 @!p0 $0x4000;
	s20 =	simm.s32 @!p0 $0x4;
	[sflag:s22] =	ssyncset.done @!p0 $0x0  }
0x45: {  	s21 =	simm.s32 @!p0 $0x50;
	s20 =	simm.s32 @p0 $0x3;
	[sflag:s22] =	ssyncadd.s32 @!p0 $0xFFFFD800  }
0x46: {  	[spmem:s2] =	stream.indirect.scatter.add.f32 @!p0 [tilespmem:s19], [sflag:$0x4], $0x80, s18, s21, $0xb8;
	[tilespmem:$0x1D000] =	vst v63  }
0x47: {  	_ =	swait.ge [sflag:s20], $0x2800  }
0x48: {  	[sflag:s20] =	ssyncset.done $0x0  }
0x49: {  	[sflag:s20] =	ssyncadd.s32 $0xFFFFD800  }
0x4a: {  	_ =	swait.ge [sflag:s14], $0x2800  }
0x4b: {  	[sflag:s14] =	ssyncset.done $0x0  }
0x4c: {  	[sflag:s14] =	ssyncadd.s32 $0xFFFFD800  }
0x4d: {  	[spmem:s2] =	stream.indirect.scatter.add.f32 [tilespmem:s13], [sflag:$0x3], $0x80, s16, s15, $0xb8;
	[tilespmem:$0x1D000] =	vst v63  }
0x4e: {  	_ =	swait.ge [sflag:s10], $0x2800  }
0x4f: {  	s17 =	sadd.s32 $0x1, s17;
	[sflag:s10] =	ssyncset.done $0x0  }
0x50: {  	p0 =	sne.s32 s17, s8;
	[sflag:s10] =	ssyncadd.s32 $0xFFFFD800  }
.Ltmp1:
0x51: {  	[bflag:$0x0] =	sbarrier.arrive $0xFFFF;
	(pc) =	sbr.rel @p0 .LBB2_1-.Ltmp1, $4  }
0x52: {  	[hbm:s7], [sflag:s11] =	dma.local [spmem:s12], $0x2800  }
0x53: {  	_ =	swait.ge [sflag:s10], $0x2800  }
0x54: {  	[sflag:s10] =	ssyncset.done $0x0  }
0x55: {  	[sflag:s10] =	ssyncadd.s32 $0xFFFFD800  }
0x56: {  	_ =	sfence.sel $0x180000  }
0x57: {  	[bflag:$0x0] =	sbarrier.arrive $0xFFFF  }
0x58: {  	p0 =	sne.s32 s1, $0x0;
	_ =	strace $0x9000004A  }
0x59: {  	s0 =	sadd.s32 @!p0 $0x100000, s0;
	[bflag:$0x2] =	sbarrier.arrive $0xFFFF  }
0x5a: {  	[sflag:s0] =	ssyncadd.tile.s32 @!p0 $0x1;
	_ =	shalt  }
.Lfunc_end2:
_tile_overlayer_lowered:
.L_overlay_start_2:
0x5b: {  	(tag) =	ssettag $0x2  }
0x5c: {  	s0 =	rddreg [dreg:$0x0];
	s2 =	stileid.u32  }
0x5d: {  	s1 =	rddreg [dreg:$0x1];
	p0 =	sne.s32 s2, $0x0  }
0x5e: {  	s3 =	rddreg [dreg:$0x2];
	[bflag:$0x3] =	sbarrier.arrive $0xFFFF;
	s2 =	simm.s32 @!p0 $0x1C03  }
0x5f: {  	[timem:s3], [sflag:s2] =	dma.local @!p0 [hbm:s0], s1  }
0x60: {  	s0 =	simm.s32 @!p0 $0x3  }
0x61: {  	_ =	swait.ge @!p0 [sflag:s0], s1  }
0x62: {  	s1 =	ssub.s32 @!p0 $0x0, s1;
	[sflag:s0] =	ssyncset.done @!p0 $0x0  }
0x63: {  	[sflag:s0] =	ssyncadd.s32 @!p0 s1  }
0x64: {  	[bflag:$0x3] =	sbarrier.arrive $0xFFFF  }
0x65: {  	_ =	shalt  }

</sc_bundles>
